<compile_context>
chip_gen: v7x
topology: tpu7x:2x2x1
jax: 0.10.2.dev20260603
libtpu: 0.0.44.dev20260713+nightly
codegen_flags: <defaults>
</compile_context>

<pallas_src>
import functools

import jax
import jax.numpy as jnp
from jax import lax
from jax.experimental import pallas as pl
from jax.experimental.pallas import tpu as pltpu
from jax.experimental.pallas import tpu_sc as plsc

V = 100000
NF = 26
D = 32
B = 16384
EM = NF * D
H1 = 128
H2 = 64
NW = 32
CPW = EM // NW
OC = 4096
EPS = 1e-5
BT = 2048
T = B // BT


def _sc_gather_t(xtf, tabT):
    mesh = plsc.VectorSubcoreMesh(core_axis_name="c", subcore_axis_name="s")

    @functools.partial(
        pl.kernel,
        mesh=mesh,
        out_type=jax.ShapeDtypeStruct((EM, B), jnp.float32),
        scratch_types=[
            pltpu.VMEM((B,), jnp.float32),
            pltpu.VMEM((V,), jnp.float32),
            pltpu.VMEM((OC,), jnp.float32),
            pltpu.VMEM((OC,), jnp.float32),
            pltpu.VMEM((160,), jnp.float32),
            pltpu.SemaphoreType.DMA,
            pltpu.SemaphoreType.DMA,
        ],
        compiler_params=pltpu.CompilerParams(use_tc_tiling_on_sc=True,
                                             needs_layout_passes=False),
    )
    def gk(x_hbm, tab_hbm, out_hbm, idx_v, trow_v, ova, ovb, tail_v, sem, rsem):
        wid = lax.axis_index("s") * 2 + lax.axis_index("c")
        QS = [(0, 24960), (24960, 24960), (49920, 24960), (74880, 24960)]
        TO = 99840

        def chan(i, carry):
            c = wid * CPW + i
            f = c // D

            @pl.when(jnp.logical_or(i == 0, f != (c - 1) // D))
            def _():
                pltpu.sync_copy(x_hbm.at[f], idx_v)

            rhs = [
                pltpu.async_copy(tab_hbm.at[c, pl.ds(o, s)],
                                 trow_v.at[pl.ds(o, s)], rsem)
                for (o, s) in QS
            ]
            rhs.append(pltpu.async_copy(
                tab_hbm.at[c, pl.ds(TO, V - TO)], tail_v, rsem))
            for rh in rhs:
                rh.wait()
            for u in range((V - TO) // 16):
                trow_v[pl.ds(TO + u * 16, 16)] = tail_v[pl.ds(u * 16, 16)]

            def gather_chunk(q):
                buf = ova if q % 2 == 0 else ovb

                @plsc.parallel_loop(0, OC, step=16, unroll=16)
                def _(s):
                    iv = plsc.bitcast(idx_v[pl.ds(q * OC + s, 16)], jnp.int32)
                    buf[pl.ds(s, 16)] = plsc.load_gather(trow_v, [iv])

                return pltpu.async_copy(
                    buf, out_hbm.at[c, pl.ds(q * OC, OC)], sem)

            hs = [None, None]
            for q in range(B // OC):
                if hs[q % 2] is not None:
                    hs[q % 2].wait()
                hs[q % 2] = gather_chunk(q)
            for h in hs:
                h.wait()
            return carry

        lax.fori_loop(0, CPW, chan, 0)

    return gk(xtf, tabT)


def _mlp_body(emb_ref, w1_ref, b1_ref, g1_ref, be1_ref, w2_ref, b2_ref,
              g2_ref, be2_ref, w3_ref, b3_ref, out_ref,
              h1_ref, h2_ref, acc1_ref, acc2_ref):
    p = pl.program_id(0)
    t = pl.program_id(1)

    @pl.when(jnp.logical_and(p == 0, t == 0))
    def _():
        acc1_ref[...] = jnp.zeros_like(acc1_ref)
        acc2_ref[...] = jnp.zeros_like(acc2_ref)

    @pl.when(p == 0)
    def _():
        h = jnp.dot(w1_ref[...], emb_ref[...], preferred_element_type=jnp.float32)
        h = jnp.maximum(h + b1_ref[...], 0.0)
        h1_ref[:, pl.ds(t * BT, BT)] = h
        acc1_ref[:, 0:1] += jnp.sum(h, axis=1, keepdims=True)
        acc1_ref[:, 1:2] += jnp.sum(h * h, axis=1, keepdims=True)

    @pl.when(jnp.logical_and(p == 1, t == 0))
    def _():
        mean = acc1_ref[:, 0:1] * (1.0 / B)
        var = acc1_ref[:, 1:2] * (1.0 / B) - mean * mean
        sc = g1_ref[...] * lax.rsqrt(var + EPS)
        acc1_ref[:, 2:3] = sc
        acc1_ref[:, 3:4] = be1_ref[...] - mean * sc

    @pl.when(p == 1)
    def _():
        h1n = h1_ref[:, pl.ds(t * BT, BT)] * acc1_ref[:, 2:3] + acc1_ref[:, 3:4]
        h = jnp.dot(w2_ref[...], h1n, preferred_element_type=jnp.float32)
        h = jnp.maximum(h + b2_ref[...], 0.0)
        h2_ref[:, pl.ds(t * BT, BT)] = h
        acc2_ref[:, 0:1] += jnp.sum(h, axis=1, keepdims=True)
        acc2_ref[:, 1:2] += jnp.sum(h * h, axis=1, keepdims=True)

    @pl.when(jnp.logical_and(p == 2, t == 0))
    def _():
        mean = acc2_ref[:, 0:1] * (1.0 / B)
        var = acc2_ref[:, 1:2] * (1.0 / B) - mean * mean
        sc = g2_ref[...] * lax.rsqrt(var + EPS)
        acc2_ref[:, 2:3] = sc
        acc2_ref[:, 3:4] = be2_ref[...] - mean * sc

    @pl.when(p == 2)
    def _():
        h2n = h2_ref[:, pl.ds(t * BT, BT)] * acc2_ref[:, 2:3] + acc2_ref[:, 3:4]
        o = jnp.sum(h2n * w3_ref[...], axis=0, keepdims=True) + b3_ref[...]
        out_ref[...] = o


def _mlp_t(embT, W1T, b1, g1, be1, W2T, b2, g2, be2, w3, b3):
    full = lambda shape: pl.BlockSpec(shape, lambda p, t: (0, 0))
    return pl.pallas_call(
        _mlp_body,
        grid=(3, T),
        in_specs=[
            pl.BlockSpec((EM, BT), lambda p, t: (0, jnp.where(p == 0, t, 0))),
            full((H1, EM)), full((H1, 1)), full((H1, 1)), full((H1, 1)),
            full((H2, H1)), full((H2, 1)), full((H2, 1)), full((H2, 1)),
            full((H2, 1)), full((1, 1)),
        ],
        out_specs=pl.BlockSpec((1, BT), lambda p, t: (0, jnp.where(p == 2, t, 0))),
        out_shape=jax.ShapeDtypeStruct((1, B), jnp.float32),
        scratch_shapes=[
            pltpu.VMEM((H1, B), jnp.float32),
            pltpu.VMEM((H2, B), jnp.float32),
            pltpu.VMEM((H1, 8), jnp.float32),
            pltpu.VMEM((H2, 8), jnp.float32),
        ],
        compiler_params=pltpu.CompilerParams(
            dimension_semantics=("arbitrary", "arbitrary")),
    )(embT, W1T, b1, g1, be1, W2T, b2, g2, be2, w3, b3)


def kernel(x, tables, W1, b1, gamma1, beta1, W2, b2, gamma2, beta2, W3, b3):
    xtf = lax.bitcast_convert_type(x.T.astype(jnp.int32), jnp.float32)
    tabT = tables.transpose(0, 2, 1).reshape(EM, V)
    embT = _sc_gather_t(xtf, tabT)
    outT = _mlp_t(embT, W1.T,
                  b1.reshape(H1, 1), gamma1.reshape(H1, 1), beta1.reshape(H1, 1),
                  W2.T, b2.reshape(H2, 1), gamma2.reshape(H2, 1), beta2.reshape(H2, 1),
                  W3, b3.reshape(1, 1))
    return outT[0]

# --- scband reference (transcript-rebuilt; emitter-appended) ---
"""Pipeline reference for scband-my-model-15659450761857 (READ-ONLY COPY).

The authoritative reference and input builder live on the scoring server;
editing this copy changes nothing except your own understanding.
"""

import jax, jax.numpy as jnp
import numpy as np

V = 100000
NF = 26
D = 32
B = 16384
EM_DIM = NF * D


def setup_inputs(seed: int = 0) -> dict:
    key = jax.random.key(seed)
    ks = jax.random.split(key, 8)
    x = jax.random.randint(ks[0], (B, NF), 0, V, dtype=jnp.int64) if jax.config.jax_enable_x64 else jax.random.randint(ks[0], (B, NF), 0, V, dtype=jnp.int32)
    tables = jax.random.normal(ks[1], (NF, V, D), dtype=jnp.float32) * 0.05
    W1 = jax.random.normal(ks[2], (EM_DIM, 128), dtype=jnp.float32) * 0.02
    b1 = jnp.zeros((128,), dtype=jnp.float32)
    gamma1 = jnp.ones((128,), dtype=jnp.float32)
    beta1 = jnp.zeros((128,), dtype=jnp.float32)
    W2 = jax.random.normal(ks[3], (128, 64), dtype=jnp.float32) * 0.05
    b2 = jnp.zeros((64,), dtype=jnp.float32)
    gamma2 = jnp.ones((64,), dtype=jnp.float32)
    beta2 = jnp.zeros((64,), dtype=jnp.float32)
    W3 = jax.random.normal(ks[4], (64, 1), dtype=jnp.float32) * 0.1
    b3 = jnp.zeros((1,), dtype=jnp.float32)
    return {"x": x, "tables": tables, "W1": W1, "b1": b1, "gamma1": gamma1, "beta1": beta1, "W2": W2, "b2": b2, "gamma2": gamma2, "beta2": beta2, "W3": W3, "b3": b3}


def _batch_norm(h, gamma, beta, eps=1e-5):
    mean = jnp.mean(h, axis=0, keepdims=True)
    var = jnp.var(h, axis=0, keepdims=True)
    return (h - mean) / jnp.sqrt(var + eps) * gamma + beta


def reference(x, tables, W1, b1, gamma1, beta1, W2, b2, gamma2, beta2, W3, b3):
    # per-field embedding lookup then concat (dropout is identity at inference)
    emb = jnp.concatenate([jnp.take(tables[i], x[:, i], axis=0) for i in range(NF)], axis=1)
    h = jax.nn.relu(emb @ W1 + b1)
    h = _batch_norm(h, gamma1, beta1)
    h = jax.nn.relu(h @ W2 + b2)
    h = _batch_norm(h, gamma2, beta2)
    out = h @ W3 + b3
    return jnp.squeeze(out, axis=-1)

if __name__ == "__main__":
    import jax
    _d = setup_inputs()
    print(jax.jit(kernel)(*tuple(_d.values())))

</pallas_src>

<mosaic_0001>
#map = affine_map<(d0, d1) -> (0, 0)>
module attributes {stable_mosaic.version = 14 : i64} {
  func.func @gk(%arg0: i32, %arg1: i32, %arg2: memref<26x16384xf32, #tpu.memory_space<hbm>>, %arg3: memref<832x100000xf32, #tpu.memory_space<hbm>>, %arg4: memref<832x16384xf32, #tpu.memory_space<hbm>>, %arg5: memref<16384xf32, #tpu.memory_space<vmem>>, %arg6: memref<100000xf32, #tpu.memory_space<vmem>>, %arg7: memref<4096xf32, #tpu.memory_space<vmem>>, %arg8: memref<4096xf32, #tpu.memory_space<vmem>>, %arg9: memref<160xf32, #tpu.memory_space<vmem>>, %arg10: memref<!tpu.dma_semaphore, #tpu.memory_space<semaphore_mem>>, %arg11: memref<!tpu.dma_semaphore, #tpu.memory_space<semaphore_mem>>) attributes {dimension_semantics = [#tpu.dimension_semantics<core_parallel>, #tpu.dimension_semantics<subcore_parallel>], iteration_bounds = array<i64: 2, 16>, scalar_prefetch = 0 : i64, scratch_operands = 7 : i64, tpu.core_type = #tpu.core_type<sc_vector_subcore>, window_params = [{transform_indices = #map}, {transform_indices = #map}, {transform_indices = #map}]} {
    %mul3A = arith.constant 2 : i32
    %mul3A_0 = arith.muli %arg1, %mul3A : i32
    %add3A = arith.addi %mul3A_0, %arg0 : i32
    %scan3A = arith.constant 0 : i32
    %scan3A_1 = arith.constant 0 : i32
    %scan3A_2 = arith.constant 26 : i32
    %scan3A_3 = arith.addi %scan3A_1, %scan3A_2 : i32
    %scan3A_4 = arith.constant 1 : i32
    scf.for %scan3A_6 = %scan3A_1 to %scan3A_3 step %scan3A_4  : i32 {
      %mul3A_7 = arith.constant 26 : i32
      %mul3A_8 = arith.muli %add3A, %mul3A_7 : i32
      %add3A_9 = arith.addi %mul3A_8, %scan3A_6 : i32
      %jit3A = arith.constant 32 : i32
      %div3A = arith.divsi %add3A_9, %jit3A : i32
      %sign3A = arith.constant 0 : i32
      %sign3A_10 = arith.cmpi sgt, %add3A_9, %sign3A : i32
      %sign3A_11 = arith.extui %sign3A_10 : i1 to i32
      %sign3A_12 = arith.constant 0 : i32
      %sign3A_13 = arith.cmpi slt, %add3A_9, %sign3A_12 : i32
      %sign3A_14 = arith.extui %sign3A_13 : i1 to i32
      %sign3A_15 = arith.subi %sign3A_11, %sign3A_14 : i32
      %sign3A_16 = arith.constant 0 : i32
      %sign3A_17 = arith.cmpi sgt, %jit3A, %sign3A_16 : i32
      %sign3A_18 = arith.extui %sign3A_17 : i1 to i32
      %sign3A_19 = arith.constant 0 : i32
      %sign3A_20 = arith.cmpi slt, %jit3A, %sign3A_19 : i32
      %sign3A_21 = arith.extui %sign3A_20 : i1 to i32
      %sign3A_22 = arith.subi %sign3A_18, %sign3A_21 : i32
      %ne3A = arith.cmpi ne, %sign3A_15, %sign3A_22 : i32
      %rem3A = arith.remsi %add3A_9, %jit3A : i32
      %ne3A_23 = arith.constant 0 : i32
      %ne3A_24 = arith.cmpi ne, %rem3A, %ne3A_23 : i32
      %and3A = arith.andi %ne3A, %ne3A_24 : i1
      %sub3A = arith.constant 1 : i32
      %sub3A_25 = arith.subi %div3A, %sub3A : i32
      %select_n3A = arith.select %and3A, %sub3A_25, %div3A : i32
      %eq3A = arith.constant 0 : i32
      %eq3A_26 = arith.cmpi eq, %scan3A_6, %eq3A : i32
      %sub3A_27 = arith.constant 1 : i32
      %sub3A_28 = arith.subi %add3A_9, %sub3A_27 : i32
      %jit3A_29 = arith.constant 32 : i32
      %div3A_30 = arith.divsi %sub3A_28, %jit3A_29 : i32
      %sign3A_31 = arith.constant 0 : i32
      %sign3A_32 = arith.cmpi sgt, %sub3A_28, %sign3A_31 : i32
      %sign3A_33 = arith.extui %sign3A_32 : i1 to i32
      %sign3A_34 = arith.constant 0 : i32
      %sign3A_35 = arith.cmpi slt, %sub3A_28, %sign3A_34 : i32
      %sign3A_36 = arith.extui %sign3A_35 : i1 to i32
      %sign3A_37 = arith.subi %sign3A_33, %sign3A_36 : i32
      %sign3A_38 = arith.constant 0 : i32
      %sign3A_39 = arith.cmpi sgt, %jit3A_29, %sign3A_38 : i32
      %sign3A_40 = arith.extui %sign3A_39 : i1 to i32
      %sign3A_41 = arith.constant 0 : i32
      %sign3A_42 = arith.cmpi slt, %jit3A_29, %sign3A_41 : i32
      %sign3A_43 = arith.extui %sign3A_42 : i1 to i32
      %sign3A_44 = arith.subi %sign3A_40, %sign3A_43 : i32
      %ne3A_45 = arith.cmpi ne, %sign3A_37, %sign3A_44 : i32
      %rem3A_46 = arith.remsi %sub3A_28, %jit3A_29 : i32
      %ne3A_47 = arith.constant 0 : i32
      %ne3A_48 = arith.cmpi ne, %rem3A_46, %ne3A_47 : i32
      %and3A_49 = arith.andi %ne3A_45, %ne3A_48 : i1
      %sub3A_50 = arith.constant 1 : i32
      %sub3A_51 = arith.subi %div3A_30, %sub3A_50 : i32
      %select_n3A_52 = arith.select %and3A_49, %sub3A_51, %div3A_30 : i32
      %ne3A_53 = arith.cmpi ne, %select_n3A, %select_n3A_52 : i32
      %or3A = arith.ori %eq3A_26, %ne3A_53 : i1
      %convert_element_type3A = arith.extui %or3A : i1 to i32
      %cond3A = arith.constant 0 : i32
      %cond3A_54 = arith.cmpi ne, %convert_element_type3A, %cond3A : i32
      scf.if %cond3A_54 {
        "tpu.region"() ({
          %run_scoped3A = tpu.sem_alloc : memref<!tpu.dma_semaphore, #tpu.memory_space<semaphore_mem>>
          %dma_start3A_242 = arith.constant 0 : i32
          %dma_start3A_243 = tpu.memref_slice %arg2[%select_n3A, %dma_start3A_242] : memref<26x16384xf32, #tpu.memory_space<hbm>> -> memref<1x16384xf32, #tpu.memory_space<hbm>>
          %dma_start3A_244 = tpu.memref_squeeze %dma_start3A_243 : memref<1x16384xf32, #tpu.memory_space<hbm>> -> memref<16384xf32, #tpu.memory_space<hbm>>
          %dma_start3A_245 = arith.constant 0 : i32
          %dma_start3A_246 = tpu.memref_slice %arg2[%select_n3A, %dma_start3A_245] : memref<26x16384xf32, #tpu.memory_space<hbm>> -> memref<1x16384xf32, #tpu.memory_space<hbm>>
          %dma_start3A_247 = tpu.memref_squeeze %dma_start3A_246 : memref<1x16384xf32, #tpu.memory_space<hbm>> -> memref<16384xf32, #tpu.memory_space<hbm>>
          tpu.enqueue_dma source(%dma_start3A_247 : memref<16384xf32, #tpu.memory_space<hbm>>) target(%arg5 : memref<16384xf32, #tpu.memory_space<vmem>>) target_semaphore(%run_scoped3A : memref<!tpu.dma_semaphore, #tpu.memory_space<semaphore_mem>>)
          %dma_wait3A_248 = arith.constant 0 : i32
          %dma_wait3A_249 = tpu.memref_slice %arg2[%select_n3A, %dma_wait3A_248] : memref<26x16384xf32, #tpu.memory_space<hbm>> -> memref<1x16384xf32, #tpu.memory_space<hbm>>
          %dma_wait3A_250 = tpu.memref_squeeze %dma_wait3A_249 : memref<1x16384xf32, #tpu.memory_space<hbm>> -> memref<16384xf32, #tpu.memory_space<hbm>>
          %dma_wait3A_251 = arith.constant 0 : i32
          %dma_wait3A_252 = tpu.memref_slice %arg2[%select_n3A, %dma_wait3A_251] : memref<26x16384xf32, #tpu.memory_space<hbm>> -> memref<1x16384xf32, #tpu.memory_space<hbm>>
          %dma_wait3A_253 = tpu.memref_squeeze %dma_wait3A_252 : memref<1x16384xf32, #tpu.memory_space<hbm>> -> memref<16384xf32, #tpu.memory_space<hbm>>
          tpu.wait_dma2 semaphore(%run_scoped3A : memref<!tpu.dma_semaphore, #tpu.memory_space<semaphore_mem>>) src(%dma_wait3A_253 : memref<16384xf32, #tpu.memory_space<hbm>>) dst(%arg5 : memref<16384xf32, #tpu.memory_space<vmem>>)
          tpu.yield
        }) : () -> ()
      } else {
      }
      %dma_start3A = arith.constant 0 : i32
      %dma_start3A_55 = tpu.memref_slice %arg6[%dma_start3A] : memref<100000xf32, #tpu.memory_space<vmem>> -> memref<24960xf32, #tpu.memory_space<vmem>>
      %dma_start3A_56 = arith.constant 0 : i32
      %dma_start3A_57 = tpu.memref_slice %arg3[%add3A_9, %dma_start3A_56] : memref<832x100000xf32, #tpu.memory_space<hbm>> -> memref<1x24960xf32, #tpu.memory_space<hbm>>
      %dma_start3A_58 = tpu.memref_squeeze %dma_start3A_57 : memref<1x24960xf32, #tpu.memory_space<hbm>> -> memref<24960xf32, #tpu.memory_space<hbm>>
      %dma_start3A_59 = arith.constant 0 : i32
      %dma_start3A_60 = tpu.memref_slice %arg6[%dma_start3A_59] : memref<100000xf32, #tpu.memory_space<vmem>> -> memref<24960xf32, #tpu.memory_space<vmem>>
      %dma_start3A_61 = arith.constant 0 : i32
      %dma_start3A_62 = tpu.memref_slice %arg3[%add3A_9, %dma_start3A_61] : memref<832x100000xf32, #tpu.memory_space<hbm>> -> memref<1x24960xf32, #tpu.memory_space<hbm>>
      %dma_start3A_63 = tpu.memref_squeeze %dma_start3A_62 : memref<1x24960xf32, #tpu.memory_space<hbm>> -> memref<24960xf32, #tpu.memory_space<hbm>>
      tpu.enqueue_dma source(%dma_start3A_63 : memref<24960xf32, #tpu.memory_space<hbm>>) target(%dma_start3A_60 : memref<24960xf32, #tpu.memory_space<vmem>>) target_semaphore(%arg11 : memref<!tpu.dma_semaphore, #tpu.memory_space<semaphore_mem>>)
      %dma_start3A_64 = arith.constant 24960 : i32
      %dma_start3A_65 = tpu.memref_slice %arg6[%dma_start3A_64] : memref<100000xf32, #tpu.memory_space<vmem>> -> memref<24960xf32, #tpu.memory_space<vmem>>
      %dma_start3A_66 = arith.constant 24960 : i32
      %dma_start3A_67 = tpu.memref_slice %arg3[%add3A_9, %dma_start3A_66] : memref<832x100000xf32, #tpu.memory_space<hbm>> -> memref<1x24960xf32, #tpu.memory_space<hbm>>
      %dma_start3A_68 = tpu.memref_squeeze %dma_start3A_67 : memref<1x24960xf32, #tpu.memory_space<hbm>> -> memref<24960xf32, #tpu.memory_space<hbm>>
      %dma_start3A_69 = arith.constant 24960 : i32
      %dma_start3A_70 = tpu.memref_slice %arg6[%dma_start3A_69] : memref<100000xf32, #tpu.memory_space<vmem>> -> memref<24960xf32, #tpu.memory_space<vmem>>
      %dma_start3A_71 = arith.constant 24960 : i32
      %dma_start3A_72 = tpu.memref_slice %arg3[%add3A_9, %dma_start3A_71] : memref<832x100000xf32, #tpu.memory_space<hbm>> -> memref<1x24960xf32, #tpu.memory_space<hbm>>
      %dma_start3A_73 = tpu.memref_squeeze %dma_start3A_72 : memref<1x24960xf32, #tpu.memory_space<hbm>> -> memref<24960xf32, #tpu.memory_space<hbm>>
      tpu.enqueue_dma source(%dma_start3A_73 : memref<24960xf32, #tpu.memory_space<hbm>>) target(%dma_start3A_70 : memref<24960xf32, #tpu.memory_space<vmem>>) target_semaphore(%arg11 : memref<!tpu.dma_semaphore, #tpu.memory_space<semaphore_mem>>)
      %dma_start3A_74 = arith.constant 49920 : i32
      %dma_start3A_75 = tpu.memref_slice %arg6[%dma_start3A_74] : memref<100000xf32, #tpu.memory_space<vmem>> -> memref<24960xf32, #tpu.memory_space<vmem>>
      %dma_start3A_76 = arith.constant 49920 : i32
      %dma_start3A_77 = tpu.memref_slice %arg3[%add3A_9, %dma_start3A_76] : memref<832x100000xf32, #tpu.memory_space<hbm>> -> memref<1x24960xf32, #tpu.memory_space<hbm>>
      %dma_start3A_78 = tpu.memref_squeeze %dma_start3A_77 : memref<1x24960xf32, #tpu.memory_space<hbm>> -> memref<24960xf32, #tpu.memory_space<hbm>>
      %dma_start3A_79 = arith.constant 49920 : i32
      %dma_start3A_80 = tpu.memref_slice %arg6[%dma_start3A_79] : memref<100000xf32, #tpu.memory_space<vmem>> -> memref<24960xf32, #tpu.memory_space<vmem>>
      %dma_start3A_81 = arith.constant 49920 : i32
      %dma_start3A_82 = tpu.memref_slice %arg3[%add3A_9, %dma_start3A_81] : memref<832x100000xf32, #tpu.memory_space<hbm>> -> memref<1x24960xf32, #tpu.memory_space<hbm>>
      %dma_start3A_83 = tpu.memref_squeeze %dma_start3A_82 : memref<1x24960xf32, #tpu.memory_space<hbm>> -> memref<24960xf32, #tpu.memory_space<hbm>>
      tpu.enqueue_dma source(%dma_start3A_83 : memref<24960xf32, #tpu.memory_space<hbm>>) target(%dma_start3A_80 : memref<24960xf32, #tpu.memory_space<vmem>>) target_semaphore(%arg11 : memref<!tpu.dma_semaphore, #tpu.memory_space<semaphore_mem>>)
      %dma_start3A_84 = arith.constant 74880 : i32
      %dma_start3A_85 = tpu.memref_slice %arg6[%dma_start3A_84] : memref<100000xf32, #tpu.memory_space<vmem>> -> memref<24960xf32, #tpu.memory_space<vmem>>
      %dma_start3A_86 = arith.constant 74880 : i32
      %dma_start3A_87 = tpu.memref_slice %arg3[%add3A_9, %dma_start3A_86] : memref<832x100000xf32, #tpu.memory_space<hbm>> -> memref<1x24960xf32, #tpu.memory_space<hbm>>
      %dma_start3A_88 = tpu.memref_squeeze %dma_start3A_87 : memref<1x24960xf32, #tpu.memory_space<hbm>> -> memref<24960xf32, #tpu.memory_space<hbm>>
      %dma_start3A_89 = arith.constant 74880 : i32
      %dma_start3A_90 = tpu.memref_slice %arg6[%dma_start3A_89] : memref<100000xf32, #tpu.memory_space<vmem>> -> memref<24960xf32, #tpu.memory_space<vmem>>
      %dma_start3A_91 = arith.constant 74880 : i32
      %dma_start3A_92 = tpu.memref_slice %arg3[%add3A_9, %dma_start3A_91] : memref<832x100000xf32, #tpu.memory_space<hbm>> -> memref<1x24960xf32, #tpu.memory_space<hbm>>
      %dma_start3A_93 = tpu.memref_squeeze %dma_start3A_92 : memref<1x24960xf32, #tpu.memory_space<hbm>> -> memref<24960xf32, #tpu.memory_space<hbm>>
      tpu.enqueue_dma source(%dma_start3A_93 : memref<24960xf32, #tpu.memory_space<hbm>>) target(%dma_start3A_90 : memref<24960xf32, #tpu.memory_space<vmem>>) target_semaphore(%arg11 : memref<!tpu.dma_semaphore, #tpu.memory_space<semaphore_mem>>)
      %dma_start3A_94 = arith.constant 99840 : i32
      %dma_start3A_95 = tpu.memref_slice %arg3[%add3A_9, %dma_start3A_94] : memref<832x100000xf32, #tpu.memory_space<hbm>> -> memref<1x160xf32, #tpu.memory_space<hbm>>
      %dma_start3A_96 = tpu.memref_squeeze %dma_start3A_95 : memref<1x160xf32, #tpu.memory_space<hbm>> -> memref<160xf32, #tpu.memory_space<hbm>>
      %dma_start3A_97 = arith.constant 99840 : i32
      %dma_start3A_98 = tpu.memref_slice %arg3[%add3A_9, %dma_start3A_97] : memref<832x100000xf32, #tpu.memory_space<hbm>> -> memref<1x160xf32, #tpu.memory_space<hbm>>
      %dma_start3A_99 = tpu.memref_squeeze %dma_start3A_98 : memref<1x160xf32, #tpu.memory_space<hbm>> -> memref<160xf32, #tpu.memory_space<hbm>>
      tpu.enqueue_dma source(%dma_start3A_99 : memref<160xf32, #tpu.memory_space<hbm>>) target(%arg9 : memref<160xf32, #tpu.memory_space<vmem>>) target_semaphore(%arg11 : memref<!tpu.dma_semaphore, #tpu.memory_space<semaphore_mem>>)
      %dma_wait3A = arith.constant 0 : i32
      %dma_wait3A_100 = tpu.memref_slice %arg6[%dma_wait3A] : memref<100000xf32, #tpu.memory_space<vmem>> -> memref<24960xf32, #tpu.memory_space<vmem>>
      %dma_wait3A_101 = arith.constant 0 : i32
      %dma_wait3A_102 = tpu.memref_slice %arg3[%add3A_9, %dma_wait3A_101] : memref<832x100000xf32, #tpu.memory_space<hbm>> -> memref<1x24960xf32, #tpu.memory_space<hbm>>
      %dma_wait3A_103 = tpu.memref_squeeze %dma_wait3A_102 : memref<1x24960xf32, #tpu.memory_space<hbm>> -> memref<24960xf32, #tpu.memory_space<hbm>>
      %dma_wait3A_104 = arith.constant 0 : i32
      %dma_wait3A_105 = tpu.memref_slice %arg6[%dma_wait3A_104] : memref<100000xf32, #tpu.memory_space<vmem>> -> memref<24960xf32, #tpu.memory_space<vmem>>
      %dma_wait3A_106 = arith.constant 0 : i32
      %dma_wait3A_107 = tpu.memref_slice %arg3[%add3A_9, %dma_wait3A_106] : memref<832x100000xf32, #tpu.memory_space<hbm>> -> memref<1x24960xf32, #tpu.memory_space<hbm>>
      %dma_wait3A_108 = tpu.memref_squeeze %dma_wait3A_107 : memref<1x24960xf32, #tpu.memory_space<hbm>> -> memref<24960xf32, #tpu.memory_space<hbm>>
      tpu.wait_dma2 semaphore(%arg11 : memref<!tpu.dma_semaphore, #tpu.memory_space<semaphore_mem>>) src(%dma_wait3A_108 : memref<24960xf32, #tpu.memory_space<hbm>>) dst(%dma_wait3A_105 : memref<24960xf32, #tpu.memory_space<vmem>>)
      %dma_wait3A_109 = arith.constant 24960 : i32
      %dma_wait3A_110 = tpu.memref_slice %arg6[%dma_wait3A_109] : memref<100000xf32, #tpu.memory_space<vmem>> -> memref<24960xf32, #tpu.memory_space<vmem>>
      %dma_wait3A_111 = arith.constant 24960 : i32
      %dma_wait3A_112 = tpu.memref_slice %arg3[%add3A_9, %dma_wait3A_111] : memref<832x100000xf32, #tpu.memory_space<hbm>> -> memref<1x24960xf32, #tpu.memory_space<hbm>>
      %dma_wait3A_113 = tpu.memref_squeeze %dma_wait3A_112 : memref<1x24960xf32, #tpu.memory_space<hbm>> -> memref<24960xf32, #tpu.memory_space<hbm>>
      %dma_wait3A_114 = arith.constant 24960 : i32
      %dma_wait3A_115 = tpu.memref_slice %arg6[%dma_wait3A_114] : memref<100000xf32, #tpu.memory_space<vmem>> -> memref<24960xf32, #tpu.memory_space<vmem>>
      %dma_wait3A_116 = arith.constant 24960 : i32
      %dma_wait3A_117 = tpu.memref_slice %arg3[%add3A_9, %dma_wait3A_116] : memref<832x100000xf32, #tpu.memory_space<hbm>> -> memref<1x24960xf32, #tpu.memory_space<hbm>>
      %dma_wait3A_118 = tpu.memref_squeeze %dma_wait3A_117 : memref<1x24960xf32, #tpu.memory_space<hbm>> -> memref<24960xf32, #tpu.memory_space<hbm>>
      tpu.wait_dma2 semaphore(%arg11 : memref<!tpu.dma_semaphore, #tpu.memory_space<semaphore_mem>>) src(%dma_wait3A_118 : memref<24960xf32, #tpu.memory_space<hbm>>) dst(%dma_wait3A_115 : memref<24960xf32, #tpu.memory_space<vmem>>)
      %dma_wait3A_119 = arith.constant 49920 : i32
      %dma_wait3A_120 = tpu.memref_slice %arg6[%dma_wait3A_119] : memref<100000xf32, #tpu.memory_space<vmem>> -> memref<24960xf32, #tpu.memory_space<vmem>>
      %dma_wait3A_121 = arith.constant 49920 : i32
      %dma_wait3A_122 = tpu.memref_slice %arg3[%add3A_9, %dma_wait3A_121] : memref<832x100000xf32, #tpu.memory_space<hbm>> -> memref<1x24960xf32, #tpu.memory_space<hbm>>
      %dma_wait3A_123 = tpu.memref_squeeze %dma_wait3A_122 : memref<1x24960xf32, #tpu.memory_space<hbm>> -> memref<24960xf32, #tpu.memory_space<hbm>>
      %dma_wait3A_124 = arith.constant 49920 : i32
      %dma_wait3A_125 = tpu.memref_slice %arg6[%dma_wait3A_124] : memref<100000xf32, #tpu.memory_space<vmem>> -> memref<24960xf32, #tpu.memory_space<vmem>>
      %dma_wait3A_126 = arith.constant 49920 : i32
      %dma_wait3A_127 = tpu.memref_slice %arg3[%add3A_9, %dma_wait3A_126] : memref<832x100000xf32, #tpu.memory_space<hbm>> -> memref<1x24960xf32, #tpu.memory_space<hbm>>
      %dma_wait3A_128 = tpu.memref_squeeze %dma_wait3A_127 : memref<1x24960xf32, #tpu.memory_space<hbm>> -> memref<24960xf32, #tpu.memory_space<hbm>>
      tpu.wait_dma2 semaphore(%arg11 : memref<!tpu.dma_semaphore, #tpu.memory_space<semaphore_mem>>) src(%dma_wait3A_128 : memref<24960xf32, #tpu.memory_space<hbm>>) dst(%dma_wait3A_125 : memref<24960xf32, #tpu.memory_space<vmem>>)
      %dma_wait3A_129 = arith.constant 74880 : i32
      %dma_wait3A_130 = tpu.memref_slice %arg6[%dma_wait3A_129] : memref<100000xf32, #tpu.memory_space<vmem>> -> memref<24960xf32, #tpu.memory_space<vmem>>
      %dma_wait3A_131 = arith.constant 74880 : i32
      %dma_wait3A_132 = tpu.memref_slice %arg3[%add3A_9, %dma_wait3A_131] : memref<832x100000xf32, #tpu.memory_space<hbm>> -> memref<1x24960xf32, #tpu.memory_space<hbm>>
      %dma_wait3A_133 = tpu.memref_squeeze %dma_wait3A_132 : memref<1x24960xf32, #tpu.memory_space<hbm>> -> memref<24960xf32, #tpu.memory_space<hbm>>
      %dma_wait3A_134 = arith.constant 74880 : i32
      %dma_wait3A_135 = tpu.memref_slice %arg6[%dma_wait3A_134] : memref<100000xf32, #tpu.memory_space<vmem>> -> memref<24960xf32, #tpu.memory_space<vmem>>
      %dma_wait3A_136 = arith.constant 74880 : i32
      %dma_wait3A_137 = tpu.memref_slice %arg3[%add3A_9, %dma_wait3A_136] : memref<832x100000xf32, #tpu.memory_space<hbm>> -> memref<1x24960xf32, #tpu.memory_space<hbm>>
      %dma_wait3A_138 = tpu.memref_squeeze %dma_wait3A_137 : memref<1x24960xf32, #tpu.memory_space<hbm>> -> memref<24960xf32, #tpu.memory_space<hbm>>
      tpu.wait_dma2 semaphore(%arg11 : memref<!tpu.dma_semaphore, #tpu.memory_space<semaphore_mem>>) src(%dma_wait3A_138 : memref<24960xf32, #tpu.memory_space<hbm>>) dst(%dma_wait3A_135 : memref<24960xf32, #tpu.memory_space<vmem>>)
      %dma_wait3A_139 = arith.constant 99840 : i32
      %dma_wait3A_140 = tpu.memref_slice %arg3[%add3A_9, %dma_wait3A_139] : memref<832x100000xf32, #tpu.memory_space<hbm>> -> memref<1x160xf32, #tpu.memory_space<hbm>>
      %dma_wait3A_141 = tpu.memref_squeeze %dma_wait3A_140 : memref<1x160xf32, #tpu.memory_space<hbm>> -> memref<160xf32, #tpu.memory_space<hbm>>
      %dma_wait3A_142 = arith.constant 99840 : i32
      %dma_wait3A_143 = tpu.memref_slice %arg3[%add3A_9, %dma_wait3A_142] : memref<832x100000xf32, #tpu.memory_space<hbm>> -> memref<1x160xf32, #tpu.memory_space<hbm>>
      %dma_wait3A_144 = tpu.memref_squeeze %dma_wait3A_143 : memref<1x160xf32, #tpu.memory_space<hbm>> -> memref<160xf32, #tpu.memory_space<hbm>>
      tpu.wait_dma2 semaphore(%arg11 : memref<!tpu.dma_semaphore, #tpu.memory_space<semaphore_mem>>) src(%dma_wait3A_144 : memref<160xf32, #tpu.memory_space<hbm>>) dst(%arg9 : memref<160xf32, #tpu.memory_space<vmem>>)
      %get3A = arith.constant 0 : index
      %get3A_145 = tpu.vector_load %arg9[%get3A] {strides = array<i32>} : memref<160xf32, #tpu.memory_space<vmem>>, vector<16xf32>,
      %swap3A = arith.constant 99840 : index
      %swap3A_146 = tpu.vector_load %arg6[%swap3A] {strides = array<i32>} : memref<100000xf32, #tpu.memory_space<vmem>>, vector<16xf32>,
      tpu.vector_store %arg6[%swap3A], %get3A_145 {strides = array<i32>} : memref<100000xf32, #tpu.memory_space<vmem>>, vector<16xf32>,
      %get3A_147 = arith.constant 16 : index
      %get3A_148 = tpu.vector_load %arg9[%get3A_147] {strides = array<i32>} : memref<160xf32, #tpu.memory_space<vmem>>, vector<16xf32>,
      %swap3A_149 = arith.constant 99856 : index
      %swap3A_150 = tpu.vector_load %arg6[%swap3A_149] {strides = array<i32>} : memref<100000xf32, #tpu.memory_space<vmem>>, vector<16xf32>,
      tpu.vector_store %arg6[%swap3A_149], %get3A_148 {strides = array<i32>} : memref<100000xf32, #tpu.memory_space<vmem>>, vector<16xf32>,
      %get3A_151 = arith.constant 32 : index
      %get3A_152 = tpu.vector_load %arg9[%get3A_151] {strides = array<i32>} : memref<160xf32, #tpu.memory_space<vmem>>, vector<16xf32>,
      %swap3A_153 = arith.constant 99872 : index
      %swap3A_154 = tpu.vector_load %arg6[%swap3A_153] {strides = array<i32>} : memref<100000xf32, #tpu.memory_space<vmem>>, vector<16xf32>,
      tpu.vector_store %arg6[%swap3A_153], %get3A_152 {strides = array<i32>} : memref<100000xf32, #tpu.memory_space<vmem>>, vector<16xf32>,
      %get3A_155 = arith.constant 48 : index
      %get3A_156 = tpu.vector_load %arg9[%get3A_155] {strides = array<i32>} : memref<160xf32, #tpu.memory_space<vmem>>, vector<16xf32>,
      %swap3A_157 = arith.constant 99888 : index
      %swap3A_158 = tpu.vector_load %arg6[%swap3A_157] {strides = array<i32>} : memref<100000xf32, #tpu.memory_space<vmem>>, vector<16xf32>,
      tpu.vector_store %arg6[%swap3A_157], %get3A_156 {strides = array<i32>} : memref<100000xf32, #tpu.memory_space<vmem>>, vector<16xf32>,
      %get3A_159 = arith.constant 64 : index
      %get3A_160 = tpu.vector_load %arg9[%get3A_159] {strides = array<i32>} : memref<160xf32, #tpu.memory_space<vmem>>, vector<16xf32>,
      %swap3A_161 = arith.constant 99904 : index
      %swap3A_162 = tpu.vector_load %arg6[%swap3A_161] {strides = array<i32>} : memref<100000xf32, #tpu.memory_space<vmem>>, vector<16xf32>,
      tpu.vector_store %arg6[%swap3A_161], %get3A_160 {strides = array<i32>} : memref<100000xf32, #tpu.memory_space<vmem>>, vector<16xf32>,
      %get3A_163 = arith.constant 80 : index
      %get3A_164 = tpu.vector_load %arg9[%get3A_163] {strides = array<i32>} : memref<160xf32, #tpu.memory_space<vmem>>, vector<16xf32>,
      %swap3A_165 = arith.constant 99920 : index
      %swap3A_166 = tpu.vector_load %arg6[%swap3A_165] {strides = array<i32>} : memref<100000xf32, #tpu.memory_space<vmem>>, vector<16xf32>,
      tpu.vector_store %arg6[%swap3A_165], %get3A_164 {strides = array<i32>} : memref<100000xf32, #tpu.memory_space<vmem>>, vector<16xf32>,
      %get3A_167 = arith.constant 96 : index
      %get3A_168 = tpu.vector_load %arg9[%get3A_167] {strides = array<i32>} : memref<160xf32, #tpu.memory_space<vmem>>, vector<16xf32>,
      %swap3A_169 = arith.constant 99936 : index
      %swap3A_170 = tpu.vector_load %arg6[%swap3A_169] {strides = array<i32>} : memref<100000xf32, #tpu.memory_space<vmem>>, vector<16xf32>,
      tpu.vector_store %arg6[%swap3A_169], %get3A_168 {strides = array<i32>} : memref<100000xf32, #tpu.memory_space<vmem>>, vector<16xf32>,
      %get3A_171 = arith.constant 112 : index
      %get3A_172 = tpu.vector_load %arg9[%get3A_171] {strides = array<i32>} : memref<160xf32, #tpu.memory_space<vmem>>, vector<16xf32>,
      %swap3A_173 = arith.constant 99952 : index
      %swap3A_174 = tpu.vector_load %arg6[%swap3A_173] {strides = array<i32>} : memref<100000xf32, #tpu.memory_space<vmem>>, vector<16xf32>,
      tpu.vector_store %arg6[%swap3A_173], %get3A_172 {strides = array<i32>} : memref<100000xf32, #tpu.memory_space<vmem>>, vector<16xf32>,
      %get3A_175 = arith.constant 128 : index
      %get3A_176 = tpu.vector_load %arg9[%get3A_175] {strides = array<i32>} : memref<160xf32, #tpu.memory_space<vmem>>, vector<16xf32>,
      %swap3A_177 = arith.constant 99968 : index
      %swap3A_178 = tpu.vector_load %arg6[%swap3A_177] {strides = array<i32>} : memref<100000xf32, #tpu.memory_space<vmem>>, vector<16xf32>,
      tpu.vector_store %arg6[%swap3A_177], %get3A_176 {strides = array<i32>} : memref<100000xf32, #tpu.memory_space<vmem>>, vector<16xf32>,
      %get3A_179 = arith.constant 144 : index
      %get3A_180 = tpu.vector_load %arg9[%get3A_179] {strides = array<i32>} : memref<160xf32, #tpu.memory_space<vmem>>, vector<16xf32>,
      %swap3A_181 = arith.constant 99984 : index
      %swap3A_182 = tpu.vector_load %arg6[%swap3A_181] {strides = array<i32>} : memref<100000xf32, #tpu.memory_space<vmem>>, vector<16xf32>,
      tpu.vector_store %arg6[%swap3A_181], %get3A_180 {strides = array<i32>} : memref<100000xf32, #tpu.memory_space<vmem>>, vector<16xf32>,
      %parallel_loop3A = arith.constant 0 : i32
      %parallel_loop3A_183 = arith.constant 4096 : i32
      %parallel_loop3A_184 = arith.constant 16 : i32
      scf.for %parallel_loop3A_242 = %parallel_loop3A to %parallel_loop3A_183 step %parallel_loop3A_184  : i32 {
        %parallel_loop3A_243 = arith.constant 0 : i32
        %parallel_loop3A_244 = arith.addi %parallel_loop3A_243, %parallel_loop3A_242 : i32
        %parallel_loop3A_245 = arith.index_cast %parallel_loop3A_244 : i32 to index
        %parallel_loop3A_246 = tpu.vector_load %arg5[%parallel_loop3A_245] {strides = array<i32>} : memref<16384xf32, #tpu.memory_space<vmem>>, vector<16xf32>,
        %parallel_loop3A_247 = vector.bitcast %parallel_loop3A_246 : vector<16xf32> to vector<16xi32>
        %parallel_loop3A_248 = tpu.vector_load_idx %arg6[%parallel_loop3A_247] : memref<100000xf32, #tpu.memory_space<vmem>>[vector<16xi32>], vector<16xf32>,
        %parallel_loop3A_249 = arith.index_cast %parallel_loop3A_242 : i32 to index
        %parallel_loop3A_250 = tpu.vector_load %arg7[%parallel_loop3A_249] {strides = array<i32>} : memref<4096xf32, #tpu.memory_space<vmem>>, vector<16xf32>,
        tpu.vector_store %arg7[%parallel_loop3A_249], %parallel_loop3A_248 {strides = array<i32>} : memref<4096xf32, #tpu.memory_space<vmem>>, vector<16xf32>,
      } {sc.loop_unroll_factor = 16 : i64, sc.parallel_access}
      %dma_start3A_185 = arith.constant 0 : i32
      %dma_start3A_186 = tpu.memref_slice %arg4[%add3A_9, %dma_start3A_185] : memref<832x16384xf32, #tpu.memory_space<hbm>> -> memref<1x4096xf32, #tpu.memory_space<hbm>>
      %dma_start3A_187 = tpu.memref_squeeze %dma_start3A_186 : memref<1x4096xf32, #tpu.memory_space<hbm>> -> memref<4096xf32, #tpu.memory_space<hbm>>
      %dma_start3A_188 = arith.constant 0 : i32
      %dma_start3A_189 = tpu.memref_slice %arg4[%add3A_9, %dma_start3A_188] : memref<832x16384xf32, #tpu.memory_space<hbm>> -> memref<1x4096xf32, #tpu.memory_space<hbm>>
      %dma_start3A_190 = tpu.memref_squeeze %dma_start3A_189 : memref<1x4096xf32, #tpu.memory_space<hbm>> -> memref<4096xf32, #tpu.memory_space<hbm>>
      tpu.enqueue_dma source(%arg7 : memref<4096xf32, #tpu.memory_space<vmem>>) target(%dma_start3A_190 : memref<4096xf32, #tpu.memory_space<hbm>>) target_semaphore(%arg10 : memref<!tpu.dma_semaphore, #tpu.memory_space<semaphore_mem>>)
      %parallel_loop3A_191 = arith.constant 0 : i32
      %parallel_loop3A_192 = arith.constant 4096 : i32
      %parallel_loop3A_193 = arith.constant 16 : i32
      scf.for %parallel_loop3A_242 = %parallel_loop3A_191 to %parallel_loop3A_192 step %parallel_loop3A_193  : i32 {
        %parallel_loop3A_243 = arith.constant 4096 : i32
        %parallel_loop3A_244 = arith.addi %parallel_loop3A_243, %parallel_loop3A_242 : i32
        %parallel_loop3A_245 = arith.index_cast %parallel_loop3A_244 : i32 to index
        %parallel_loop3A_246 = tpu.vector_load %arg5[%parallel_loop3A_245] {strides = array<i32>} : memref<16384xf32, #tpu.memory_space<vmem>>, vector<16xf32>,
        %parallel_loop3A_247 = vector.bitcast %parallel_loop3A_246 : vector<16xf32> to vector<16xi32>
        %parallel_loop3A_248 = tpu.vector_load_idx %arg6[%parallel_loop3A_247] : memref<100000xf32, #tpu.memory_space<vmem>>[vector<16xi32>], vector<16xf32>,
        %parallel_loop3A_249 = arith.index_cast %parallel_loop3A_242 : i32 to index
        %parallel_loop3A_250 = tpu.vector_load %arg8[%parallel_loop3A_249] {strides = array<i32>} : memref<4096xf32, #tpu.memory_space<vmem>>, vector<16xf32>,
        tpu.vector_store %arg8[%parallel_loop3A_249], %parallel_loop3A_248 {strides = array<i32>} : memref<4096xf32, #tpu.memory_space<vmem>>, vector<16xf32>,
      } {sc.loop_unroll_factor = 16 : i64, sc.parallel_access}
      %dma_start3A_194 = arith.constant 4096 : i32
      %dma_start3A_195 = tpu.memref_slice %arg4[%add3A_9, %dma_start3A_194] : memref<832x16384xf32, #tpu.memory_space<hbm>> -> memref<1x4096xf32, #tpu.memory_space<hbm>>
      %dma_start3A_196 = tpu.memref_squeeze %dma_start3A_195 : memref<1x4096xf32, #tpu.memory_space<hbm>> -> memref<4096xf32, #tpu.memory_space<hbm>>
      %dma_start3A_197 = arith.constant 4096 : i32
      %dma_start3A_198 = tpu.memref_slice %arg4[%add3A_9, %dma_start3A_197] : memref<832x16384xf32, #tpu.memory_space<hbm>> -> memref<1x4096xf32, #tpu.memory_space<hbm>>
      %dma_start3A_199 = tpu.memref_squeeze %dma_start3A_198 : memref<1x4096xf32, #tpu.memory_space<hbm>> -> memref<4096xf32, #tpu.memory_space<hbm>>
      tpu.enqueue_dma source(%arg8 : memref<4096xf32, #tpu.memory_space<vmem>>) target(%dma_start3A_199 : memref<4096xf32, #tpu.memory_space<hbm>>) target_semaphore(%arg10 : memref<!tpu.dma_semaphore, #tpu.memory_space<semaphore_mem>>)
      %dma_wait3A_200 = arith.constant 0 : i32
      %dma_wait3A_201 = tpu.memref_slice %arg4[%add3A_9, %dma_wait3A_200] : memref<832x16384xf32, #tpu.memory_space<hbm>> -> memref<1x4096xf32, #tpu.memory_space<hbm>>
      %dma_wait3A_202 = tpu.memref_squeeze %dma_wait3A_201 : memref<1x4096xf32, #tpu.memory_space<hbm>> -> memref<4096xf32, #tpu.memory_space<hbm>>
      %dma_wait3A_203 = arith.constant 0 : i32
      %dma_wait3A_204 = tpu.memref_slice %arg4[%add3A_9, %dma_wait3A_203] : memref<832x16384xf32, #tpu.memory_space<hbm>> -> memref<1x4096xf32, #tpu.memory_space<hbm>>
      %dma_wait3A_205 = tpu.memref_squeeze %dma_wait3A_204 : memref<1x4096xf32, #tpu.memory_space<hbm>> -> memref<4096xf32, #tpu.memory_space<hbm>>
      tpu.wait_dma2 semaphore(%arg10 : memref<!tpu.dma_semaphore, #tpu.memory_space<semaphore_mem>>) src(%arg7 : memref<4096xf32, #tpu.memory_space<vmem>>) dst(%dma_wait3A_205 : memref<4096xf32, #tpu.memory_space<hbm>>)
      %parallel_loop3A_206 = arith.constant 0 : i32
      %parallel_loop3A_207 = arith.constant 4096 : i32
      %parallel_loop3A_208 = arith.constant 16 : i32
      scf.for %parallel_loop3A_242 = %parallel_loop3A_206 to %parallel_loop3A_207 step %parallel_loop3A_208  : i32 {
        %parallel_loop3A_243 = arith.constant 8192 : i32
        %parallel_loop3A_244 = arith.addi %parallel_loop3A_243, %parallel_loop3A_242 : i32
        %parallel_loop3A_245 = arith.index_cast %parallel_loop3A_244 : i32 to index
        %parallel_loop3A_246 = tpu.vector_load %arg5[%parallel_loop3A_245] {strides = array<i32>} : memref<16384xf32, #tpu.memory_space<vmem>>, vector<16xf32>,
        %parallel_loop3A_247 = vector.bitcast %parallel_loop3A_246 : vector<16xf32> to vector<16xi32>
        %parallel_loop3A_248 = tpu.vector_load_idx %arg6[%parallel_loop3A_247] : memref<100000xf32, #tpu.memory_space<vmem>>[vector<16xi32>], vector<16xf32>,
        %parallel_loop3A_249 = arith.index_cast %parallel_loop3A_242 : i32 to index
        %parallel_loop3A_250 = tpu.vector_load %arg7[%parallel_loop3A_249] {strides = array<i32>} : memref<4096xf32, #tpu.memory_space<vmem>>, vector<16xf32>,
        tpu.vector_store %arg7[%parallel_loop3A_249], %parallel_loop3A_248 {strides = array<i32>} : memref<4096xf32, #tpu.memory_space<vmem>>, vector<16xf32>,
      } {sc.loop_unroll_factor = 16 : i64, sc.parallel_access}
      %dma_start3A_209 = arith.constant 8192 : i32
      %dma_start3A_210 = tpu.memref_slice %arg4[%add3A_9, %dma_start3A_209] : memref<832x16384xf32, #tpu.memory_space<hbm>> -> memref<1x4096xf32, #tpu.memory_space<hbm>>
      %dma_start3A_211 = tpu.memref_squeeze %dma_start3A_210 : memref<1x4096xf32, #tpu.memory_space<hbm>> -> memref<4096xf32, #tpu.memory_space<hbm>>
      %dma_start3A_212 = arith.constant 8192 : i32
      %dma_start3A_213 = tpu.memref_slice %arg4[%add3A_9, %dma_start3A_212] : memref<832x16384xf32, #tpu.memory_space<hbm>> -> memref<1x4096xf32, #tpu.memory_space<hbm>>
      %dma_start3A_214 = tpu.memref_squeeze %dma_start3A_213 : memref<1x4096xf32, #tpu.memory_space<hbm>> -> memref<4096xf32, #tpu.memory_space<hbm>>
      tpu.enqueue_dma source(%arg7 : memref<4096xf32, #tpu.memory_space<vmem>>) target(%dma_start3A_214 : memref<4096xf32, #tpu.memory_space<hbm>>) target_semaphore(%arg10 : memref<!tpu.dma_semaphore, #tpu.memory_space<semaphore_mem>>)
      %dma_wait3A_215 = arith.constant 4096 : i32
      %dma_wait3A_216 = tpu.memref_slice %arg4[%add3A_9, %dma_wait3A_215] : memref<832x16384xf32, #tpu.memory_space<hbm>> -> memref<1x4096xf32, #tpu.memory_space<hbm>>
      %dma_wait3A_217 = tpu.memref_squeeze %dma_wait3A_216 : memref<1x4096xf32, #tpu.memory_space<hbm>> -> memref<4096xf32, #tpu.memory_space<hbm>>
      %dma_wait3A_218 = arith.constant 4096 : i32
      %dma_wait3A_219 = tpu.memref_slice %arg4[%add3A_9, %dma_wait3A_218] : memref<832x16384xf32, #tpu.memory_space<hbm>> -> memref<1x4096xf32, #tpu.memory_space<hbm>>
      %dma_wait3A_220 = tpu.memref_squeeze %dma_wait3A_219 : memref<1x4096xf32, #tpu.memory_space<hbm>> -> memref<4096xf32, #tpu.memory_space<hbm>>
      tpu.wait_dma2 semaphore(%arg10 : memref<!tpu.dma_semaphore, #tpu.memory_space<semaphore_mem>>) src(%arg8 : memref<4096xf32, #tpu.memory_space<vmem>>) dst(%dma_wait3A_220 : memref<4096xf32, #tpu.memory_space<hbm>>)
      %parallel_loop3A_221 = arith.constant 0 : i32
      %parallel_loop3A_222 = arith.constant 4096 : i32
      %parallel_loop3A_223 = arith.constant 16 : i32
      scf.for %parallel_loop3A_242 = %parallel_loop3A_221 to %parallel_loop3A_222 step %parallel_loop3A_223  : i32 {
        %parallel_loop3A_243 = arith.constant 12288 : i32
        %parallel_loop3A_244 = arith.addi %parallel_loop3A_243, %parallel_loop3A_242 : i32
        %parallel_loop3A_245 = arith.index_cast %parallel_loop3A_244 : i32 to index
        %parallel_loop3A_246 = tpu.vector_load %arg5[%parallel_loop3A_245] {strides = array<i32>} : memref<16384xf32, #tpu.memory_space<vmem>>, vector<16xf32>,
        %parallel_loop3A_247 = vector.bitcast %parallel_loop3A_246 : vector<16xf32> to vector<16xi32>
        %parallel_loop3A_248 = tpu.vector_load_idx %arg6[%parallel_loop3A_247] : memref<100000xf32, #tpu.memory_space<vmem>>[vector<16xi32>], vector<16xf32>,
        %parallel_loop3A_249 = arith.index_cast %parallel_loop3A_242 : i32 to index
        %parallel_loop3A_250 = tpu.vector_load %arg8[%parallel_loop3A_249] {strides = array<i32>} : memref<4096xf32, #tpu.memory_space<vmem>>, vector<16xf32>,
        tpu.vector_store %arg8[%parallel_loop3A_249], %parallel_loop3A_248 {strides = array<i32>} : memref<4096xf32, #tpu.memory_space<vmem>>, vector<16xf32>,
      } {sc.loop_unroll_factor = 16 : i64, sc.parallel_access}
      %dma_start3A_224 = arith.constant 12288 : i32
      %dma_start3A_225 = tpu.memref_slice %arg4[%add3A_9, %dma_start3A_224] : memref<832x16384xf32, #tpu.memory_space<hbm>> -> memref<1x4096xf32, #tpu.memory_space<hbm>>
      %dma_start3A_226 = tpu.memref_squeeze %dma_start3A_225 : memref<1x4096xf32, #tpu.memory_space<hbm>> -> memref<4096xf32, #tpu.memory_space<hbm>>
      %dma_start3A_227 = arith.constant 12288 : i32
      %dma_start3A_228 = tpu.memref_slice %arg4[%add3A_9, %dma_start3A_227] : memref<832x16384xf32, #tpu.memory_space<hbm>> -> memref<1x4096xf32, #tpu.memory_space<hbm>>
      %dma_start3A_229 = tpu.memref_squeeze %dma_start3A_228 : memref<1x4096xf32, #tpu.memory_space<hbm>> -> memref<4096xf32, #tpu.memory_space<hbm>>
      tpu.enqueue_dma source(%arg8 : memref<4096xf32, #tpu.memory_space<vmem>>) target(%dma_start3A_229 : memref<4096xf32, #tpu.memory_space<hbm>>) target_semaphore(%arg10 : memref<!tpu.dma_semaphore, #tpu.memory_space<semaphore_mem>>)
      %dma_wait3A_230 = arith.constant 8192 : i32
      %dma_wait3A_231 = tpu.memref_slice %arg4[%add3A_9, %dma_wait3A_230] : memref<832x16384xf32, #tpu.memory_space<hbm>> -> memref<1x4096xf32, #tpu.memory_space<hbm>>
      %dma_wait3A_232 = tpu.memref_squeeze %dma_wait3A_231 : memref<1x4096xf32, #tpu.memory_space<hbm>> -> memref<4096xf32, #tpu.memory_space<hbm>>
      %dma_wait3A_233 = arith.constant 8192 : i32
      %dma_wait3A_234 = tpu.memref_slice %arg4[%add3A_9, %dma_wait3A_233] : memref<832x16384xf32, #tpu.memory_space<hbm>> -> memref<1x4096xf32, #tpu.memory_space<hbm>>
      %dma_wait3A_235 = tpu.memref_squeeze %dma_wait3A_234 : memref<1x4096xf32, #tpu.memory_space<hbm>> -> memref<4096xf32, #tpu.memory_space<hbm>>
      tpu.wait_dma2 semaphore(%arg10 : memref<!tpu.dma_semaphore, #tpu.memory_space<semaphore_mem>>) src(%arg7 : memref<4096xf32, #tpu.memory_space<vmem>>) dst(%dma_wait3A_235 : memref<4096xf32, #tpu.memory_space<hbm>>)
      %dma_wait3A_236 = arith.constant 12288 : i32
      %dma_wait3A_237 = tpu.memref_slice %arg4[%add3A_9, %dma_wait3A_236] : memref<832x16384xf32, #tpu.memory_space<hbm>> -> memref<1x4096xf32, #tpu.memory_space<hbm>>
      %dma_wait3A_238 = tpu.memref_squeeze %dma_wait3A_237 : memref<1x4096xf32, #tpu.memory_space<hbm>> -> memref<4096xf32, #tpu.memory_space<hbm>>
      %dma_wait3A_239 = arith.constant 12288 : i32
      %dma_wait3A_240 = tpu.memref_slice %arg4[%add3A_9, %dma_wait3A_239] : memref<832x16384xf32, #tpu.memory_space<hbm>> -> memref<1x4096xf32, #tpu.memory_space<hbm>>
      %dma_wait3A_241 = tpu.memref_squeeze %dma_wait3A_240 : memref<1x4096xf32, #tpu.memory_space<hbm>> -> memref<4096xf32, #tpu.memory_space<hbm>>
      tpu.wait_dma2 semaphore(%arg10 : memref<!tpu.dma_semaphore, #tpu.memory_space<semaphore_mem>>) src(%arg8 : memref<4096xf32, #tpu.memory_space<vmem>>) dst(%dma_wait3A_241 : memref<4096xf32, #tpu.memory_space<hbm>>)
    }
    %scan3A_5 = arith.constant 26 : i32
    return
  }
}

module attributes {stable_mosaic.version = 14 : i64} {
  func.func @_mlp_body(%arg0: i32, %arg1: i32, %arg2: memref<832x2048xf32, #tpu.memory_space<vmem>>, %arg3: memref<128x832xf32, #tpu.memory_space<vmem>>, %arg4: memref<128x1xf32, #tpu.memory_space<vmem>>, %arg5: memref<128x1xf32, #tpu.memory_space<vmem>>, %arg6: memref<128x1xf32, #tpu.memory_space<vmem>>, %arg7: memref<64x128xf32, #tpu.memory_space<vmem>>, %arg8: memref<64x1xf32, #tpu.memory_space<vmem>>, %arg9: memref<64x1xf32, #tpu.memory_space<vmem>>, %arg10: memref<64x1xf32, #tpu.memory_space<vmem>>, %arg11: memref<64x1xf32, #tpu.memory_space<vmem>>, %arg12: memref<1x1xf32, #tpu.memory_space<vmem>>, %arg13: memref<1x2048xf32, #tpu.memory_space<vmem>>, %arg14: memref<128x16384xf32, #tpu.memory_space<vmem>>, %arg15: memref<64x16384xf32, #tpu.memory_space<vmem>>, %arg16: memref<128x8xf32, #tpu.memory_space<vmem>>, %arg17: memref<64x8xf32, #tpu.memory_space<vmem>>) attributes {dimension_semantics = [#tpu.dimension_semantics<arbitrary>, #tpu.dimension_semantics<arbitrary>], iteration_bounds = array<i64: 3, 8>, scalar_prefetch = 0 : i64, scratch_operands = 4 : i64, tpu.core_type = #tpu.core_type<tc>, window_params = [{transform_indices = @transform_0, window_bounds = array<i64: 832, 2048>}, {pipeline_mode = #tpu.pipeline_mode<synchronous>, transform_indices = @transform_1, window_bounds = array<i64: 128, 832>}, {pipeline_mode = #tpu.pipeline_mode<synchronous>, transform_indices = @transform_2, window_bounds = array<i64: 128, 1>}, {pipeline_mode = #tpu.pipeline_mode<synchronous>, transform_indices = @transform_3, window_bounds = array<i64: 128, 1>}, {pipeline_mode = #tpu.pipeline_mode<synchronous>, transform_indices = @transform_4, window_bounds = array<i64: 128, 1>}, {pipeline_mode = #tpu.pipeline_mode<synchronous>, transform_indices = @transform_5, window_bounds = array<i64: 64, 128>}, {pipeline_mode = #tpu.pipeline_mode<synchronous>, transform_indices = @transform_6, window_bounds = array<i64: 64, 1>}, {pipeline_mode = #tpu.pipeline_mode<synchronous>, transform_indices = @transform_7, window_bounds = array<i64: 64, 1>}, {pipeline_mode = #tpu.pipeline_mode<synchronous>, transform_indices = @transform_8, window_bounds = array<i64: 64, 1>}, {pipeline_mode = #tpu.pipeline_mode<synchronous>, transform_indices = @transform_9, window_bounds = array<i64: 64, 1>}, {pipeline_mode = #tpu.pipeline_mode<synchronous>, transform_indices = @transform_10, window_bounds = array<i64: 1, 1>}, {transform_indices = @transform_11, window_bounds = array<i64: 1, 2048>}]} {
    %eq3A = arith.constant 0 : i32
    %eq3A_0 = arith.cmpi eq, %arg0, %eq3A : i32
    %eq3A_1 = arith.constant 0 : i32
    %eq3A_2 = arith.cmpi eq, %arg1, %eq3A_1 : i32
    %and3A = arith.andi %eq3A_0, %eq3A_2 : i1
    %convert_element_type3A = arith.extui %and3A : i1 to i32
    %cond3A = arith.constant 0 : i32
    %cond3A_3 = arith.cmpi ne, %convert_element_type3A, %cond3A : i32
    scf.if %cond3A_3 {
      %broadcast_in_dim3A = arith.constant 0.000000e+00 : f32
      %broadcast_in_dim3A_35 = vector.broadcast %broadcast_in_dim3A : f32 to vector<128x8xf32>
      %swap3A = arith.constant 0 : index
      %swap3A_36 = arith.constant 0 : index
      %swap3A_37 = vector.load %arg16[%swap3A, %swap3A_36] : memref<128x8xf32, #tpu.memory_space<vmem>>, vector<128x8xf32>
      tpu.vector_store %arg16[%swap3A, %swap3A_36], %broadcast_in_dim3A_35 {strides = array<i32>} : memref<128x8xf32, #tpu.memory_space<vmem>>, vector<128x8xf32>,
      %broadcast_in_dim3A_38 = arith.constant 0.000000e+00 : f32
      %broadcast_in_dim3A_39 = vector.broadcast %broadcast_in_dim3A_38 : f32 to vector<64x8xf32>
      %swap3A_40 = arith.constant 0 : index
      %swap3A_41 = arith.constant 0 : index
      %swap3A_42 = vector.load %arg17[%swap3A_40, %swap3A_41] : memref<64x8xf32, #tpu.memory_space<vmem>>, vector<64x8xf32>
      tpu.vector_store %arg17[%swap3A_40, %swap3A_41], %broadcast_in_dim3A_39 {strides = array<i32>} : memref<64x8xf32, #tpu.memory_space<vmem>>, vector<64x8xf32>,
    } else {
    }
    %eq3A_4 = arith.constant 0 : i32
    %eq3A_5 = arith.cmpi eq, %arg0, %eq3A_4 : i32
    %convert_element_type3A_6 = arith.extui %eq3A_5 : i1 to i32
    %cond3A_7 = arith.constant 0 : i32
    %cond3A_8 = arith.cmpi ne, %convert_element_type3A_6, %cond3A_7 : i32
    scf.if %cond3A_8 {
      %get3A = arith.constant 0 : index
      %get3A_35 = arith.constant 0 : index
      %get3A_36 = vector.load %arg3[%get3A, %get3A_35] : memref<128x832xf32, #tpu.memory_space<vmem>>, vector<128x832xf32>
      %get3A_37 = arith.constant 0 : index
      %get3A_38 = arith.constant 0 : index
      %get3A_39 = vector.load %arg2[%get3A_37, %get3A_38] : memref<832x2048xf32, #tpu.memory_space<vmem>>, vector<832x2048xf32>
      %dot_general3A = arith.constant dense<0.000000e+00> : vector<128x2048xf32>
      %dot_general3A_40 = tpu.matmul %get3A_36, %get3A_39, %dot_general3A {dimension_numbers = #tpu.dot_dimension_numbers<[1], [0], [0], [1], [0, 0, 1, 1], [], []>, transpose_lhs_hint = false} : vector<128x832xf32>, vector<832x2048xf32>, vector<128x2048xf32> -> vector<128x2048xf32>
      %get3A_41 = arith.constant 0 : index
      %get3A_42 = arith.constant 0 : index
      %get3A_43 = vector.load %arg4[%get3A_41, %get3A_42] : memref<128x1xf32, #tpu.memory_space<vmem>>, vector<128x1xf32>
      %add3A = vector.broadcast %get3A_43 : vector<128x1xf32> to vector<128x2048xf32>
      %add3A_44 = arith.addf %dot_general3A_40, %add3A : vector<128x2048xf32>
      %max3A = arith.constant 0.000000e+00 : f32
      %max3A_45 = vector.broadcast %max3A : f32 to vector<128x2048xf32>
      %max3A_46 = arith.maximumf %add3A_44, %max3A_45 : vector<128x2048xf32>
      %mul3A = arith.constant 2048 : i32
      %mul3A_47 = arith.muli %arg1, %mul3A : i32
      %swap3A = arith.constant 0 : index
      %swap3A_48 = arith.index_cast %mul3A_47 : i32 to index
      %swap3A_49 = vector.load %arg14[%swap3A, %swap3A_48] : memref<128x16384xf32, #tpu.memory_space<vmem>>, vector<128x2048xf32>
      tpu.vector_store %arg14[%swap3A, %swap3A_48], %max3A_46 {strides = array<i32>} : memref<128x16384xf32, #tpu.memory_space<vmem>>, vector<128x2048xf32>,
      %get3A_50 = arith.constant 0 : index
      %get3A_51 = arith.constant 0 : index
      %get3A_52 = vector.load %arg16[%get3A_50, %get3A_51] : memref<128x8xf32, #tpu.memory_space<vmem>>, vector<128x1xf32>
      %reduce_sum3A = arith.constant dense<0.000000e+00> : vector<128xf32>
      %reduce_sum3A_53 = vector.multi_reduction <add>, %max3A_46, %reduce_sum3A [1] : vector<128x2048xf32> to vector<128xf32>
      %broadcast_in_dim3A = vector.shape_cast %reduce_sum3A_53 : vector<128xf32> to vector<128x1xf32>
      %add3A_54 = arith.addf %get3A_52, %broadcast_in_dim3A : vector<128x1xf32>
      %swap3A_55 = arith.constant 0 : index
      %swap3A_56 = arith.constant 0 : index
      %swap3A_57 = vector.load %arg16[%swap3A_55, %swap3A_56] : memref<128x8xf32, #tpu.memory_space<vmem>>, vector<128x1xf32>
      tpu.vector_store %arg16[%swap3A_55, %swap3A_56], %add3A_54 {strides = array<i32>} : memref<128x8xf32, #tpu.memory_space<vmem>>, vector<128x1xf32>,
      %get3A_58 = arith.constant 0 : index
      %get3A_59 = arith.constant 1 : index
      %get3A_60 = vector.load %arg16[%get3A_58, %get3A_59] : memref<128x8xf32, #tpu.memory_space<vmem>>, vector<128x1xf32>
      %mul3A_61 = arith.mulf %max3A_46, %max3A_46 : vector<128x2048xf32>
      %reduce_sum3A_62 = arith.constant dense<0.000000e+00> : vector<128xf32>
      %reduce_sum3A_63 = vector.multi_reduction <add>, %mul3A_61, %reduce_sum3A_62 [1] : vector<128x2048xf32> to vector<128xf32>
      %broadcast_in_dim3A_64 = vector.shape_cast %reduce_sum3A_63 : vector<128xf32> to vector<128x1xf32>
      %add3A_65 = arith.addf %get3A_60, %broadcast_in_dim3A_64 : vector<128x1xf32>
      %swap3A_66 = arith.constant 0 : index
      %swap3A_67 = arith.constant 1 : index
      %swap3A_68 = vector.load %arg16[%swap3A_66, %swap3A_67] : memref<128x8xf32, #tpu.memory_space<vmem>>, vector<128x1xf32>
      tpu.vector_store %arg16[%swap3A_66, %swap3A_67], %add3A_65 {strides = array<i32>} : memref<128x8xf32, #tpu.memory_space<vmem>>, vector<128x1xf32>,
    } else {
    }
    %eq3A_9 = arith.constant 1 : i32
    %eq3A_10 = arith.cmpi eq, %arg0, %eq3A_9 : i32
    %eq3A_11 = arith.constant 0 : i32
    %eq3A_12 = arith.cmpi eq, %arg1, %eq3A_11 : i32
    %and3A_13 = arith.andi %eq3A_10, %eq3A_12 : i1
    %convert_element_type3A_14 = arith.extui %and3A_13 : i1 to i32
    %cond3A_15 = arith.constant 0 : i32
    %cond3A_16 = arith.cmpi ne, %convert_element_type3A_14, %cond3A_15 : i32
    scf.if %cond3A_16 {
      %get3A = arith.constant 0 : index
      %get3A_35 = arith.constant 0 : index
      %get3A_36 = vector.load %arg16[%get3A, %get3A_35] : memref<128x8xf32, #tpu.memory_space<vmem>>, vector<128x1xf32>
      %mul3A = arith.constant 6.10351563E-5 : f32
      %mul3A_37 = vector.broadcast %mul3A : f32 to vector<128x1xf32>
      %mul3A_38 = arith.mulf %get3A_36, %mul3A_37 : vector<128x1xf32>
      %get3A_39 = arith.constant 0 : index
      %get3A_40 = arith.constant 1 : index
      %get3A_41 = vector.load %arg16[%get3A_39, %get3A_40] : memref<128x8xf32, #tpu.memory_space<vmem>>, vector<128x1xf32>
      %mul3A_42 = arith.constant 6.10351563E-5 : f32
      %mul3A_43 = vector.broadcast %mul3A_42 : f32 to vector<128x1xf32>
      %mul3A_44 = arith.mulf %get3A_41, %mul3A_43 : vector<128x1xf32>
      %mul3A_45 = arith.mulf %mul3A_38, %mul3A_38 : vector<128x1xf32>
      %sub3A = arith.subf %mul3A_44, %mul3A_45 : vector<128x1xf32>
      %get3A_46 = arith.constant 0 : index
      %get3A_47 = arith.constant 0 : index
      %get3A_48 = vector.load %arg5[%get3A_46, %get3A_47] : memref<128x1xf32, #tpu.memory_space<vmem>>, vector<128x1xf32>
      %add3A = arith.constant 9.99999974E-6 : f32
      %add3A_49 = vector.broadcast %add3A : f32 to vector<128x1xf32>
      %add3A_50 = arith.addf %sub3A, %add3A_49 : vector<128x1xf32>
      %rsqrt3A = math.rsqrt %add3A_50 : vector<128x1xf32>
      %mul3A_51 = arith.mulf %get3A_48, %rsqrt3A : vector<128x1xf32>
      %swap3A = arith.constant 0 : index
      %swap3A_52 = arith.constant 2 : index
      %swap3A_53 = vector.load %arg16[%swap3A, %swap3A_52] : memref<128x8xf32, #tpu.memory_space<vmem>>, vector<128x1xf32>
      tpu.vector_store %arg16[%swap3A, %swap3A_52], %mul3A_51 {strides = array<i32>} : memref<128x8xf32, #tpu.memory_space<vmem>>, vector<128x1xf32>,
      %get3A_54 = arith.constant 0 : index
      %get3A_55 = arith.constant 0 : index
      %get3A_56 = vector.load %arg6[%get3A_54, %get3A_55] : memref<128x1xf32, #tpu.memory_space<vmem>>, vector<128x1xf32>
      %mul3A_57 = arith.mulf %mul3A_38, %mul3A_51 : vector<128x1xf32>
      %sub3A_58 = arith.subf %get3A_56, %mul3A_57 : vector<128x1xf32>
      %swap3A_59 = arith.constant 0 : index
      %swap3A_60 = arith.constant 3 : index
      %swap3A_61 = vector.load %arg16[%swap3A_59, %swap3A_60] : memref<128x8xf32, #tpu.memory_space<vmem>>, vector<128x1xf32>
      tpu.vector_store %arg16[%swap3A_59, %swap3A_60], %sub3A_58 {strides = array<i32>} : memref<128x8xf32, #tpu.memory_space<vmem>>, vector<128x1xf32>,
    } else {
    }
    %eq3A_17 = arith.constant 1 : i32
    %eq3A_18 = arith.cmpi eq, %arg0, %eq3A_17 : i32
    %convert_element_type3A_19 = arith.extui %eq3A_18 : i1 to i32
    %cond3A_20 = arith.constant 0 : i32
    %cond3A_21 = arith.cmpi ne, %convert_element_type3A_19, %cond3A_20 : i32
    scf.if %cond3A_21 {
      %mul3A = arith.constant 2048 : i32
      %mul3A_35 = arith.muli %arg1, %mul3A : i32
      %get3A = arith.constant 0 : index
      %get3A_36 = arith.index_cast %mul3A_35 : i32 to index
      %get3A_37 = vector.load %arg14[%get3A, %get3A_36] : memref<128x16384xf32, #tpu.memory_space<vmem>>, vector<128x2048xf32>
      %get3A_38 = arith.constant 0 : index
      %get3A_39 = arith.constant 2 : index
      %get3A_40 = vector.load %arg16[%get3A_38, %get3A_39] : memref<128x8xf32, #tpu.memory_space<vmem>>, vector<128x1xf32>
      %mul3A_41 = vector.broadcast %get3A_40 : vector<128x1xf32> to vector<128x2048xf32>
      %mul3A_42 = arith.mulf %get3A_37, %mul3A_41 : vector<128x2048xf32>
      %get3A_43 = arith.constant 0 : index
      %get3A_44 = arith.constant 3 : index
      %get3A_45 = vector.load %arg16[%get3A_43, %get3A_44] : memref<128x8xf32, #tpu.memory_space<vmem>>, vector<128x1xf32>
      %add3A = vector.broadcast %get3A_45 : vector<128x1xf32> to vector<128x2048xf32>
      %add3A_46 = arith.addf %mul3A_42, %add3A : vector<128x2048xf32>
      %get3A_47 = arith.constant 0 : index
      %get3A_48 = arith.constant 0 : index
      %get3A_49 = vector.load %arg7[%get3A_47, %get3A_48] : memref<64x128xf32, #tpu.memory_space<vmem>>, vector<64x128xf32>
      %dot_general3A = arith.constant dense<0.000000e+00> : vector<64x2048xf32>
      %dot_general3A_50 = tpu.matmul %get3A_49, %add3A_46, %dot_general3A {dimension_numbers = #tpu.dot_dimension_numbers<[1], [0], [0], [1], [0, 0, 1, 1], [], []>, transpose_lhs_hint = false} : vector<64x128xf32>, vector<128x2048xf32>, vector<64x2048xf32> -> vector<64x2048xf32>
      %get3A_51 = arith.constant 0 : index
      %get3A_52 = arith.constant 0 : index
      %get3A_53 = vector.load %arg8[%get3A_51, %get3A_52] : memref<64x1xf32, #tpu.memory_space<vmem>>, vector<64x1xf32>
      %add3A_54 = vector.broadcast %get3A_53 : vector<64x1xf32> to vector<64x2048xf32>
      %add3A_55 = arith.addf %dot_general3A_50, %add3A_54 : vector<64x2048xf32>
      %max3A = arith.constant 0.000000e+00 : f32
      %max3A_56 = vector.broadcast %max3A : f32 to vector<64x2048xf32>
      %max3A_57 = arith.maximumf %add3A_55, %max3A_56 : vector<64x2048xf32>
      %mul3A_58 = arith.constant 2048 : i32
      %mul3A_59 = arith.muli %arg1, %mul3A_58 : i32
      %swap3A = arith.constant 0 : index
      %swap3A_60 = arith.index_cast %mul3A_59 : i32 to index
      %swap3A_61 = vector.load %arg15[%swap3A, %swap3A_60] : memref<64x16384xf32, #tpu.memory_space<vmem>>, vector<64x2048xf32>
      tpu.vector_store %arg15[%swap3A, %swap3A_60], %max3A_57 {strides = array<i32>} : memref<64x16384xf32, #tpu.memory_space<vmem>>, vector<64x2048xf32>,
      %get3A_62 = arith.constant 0 : index
      %get3A_63 = arith.constant 0 : index
      %get3A_64 = vector.load %arg17[%get3A_62, %get3A_63] : memref<64x8xf32, #tpu.memory_space<vmem>>, vector<64x1xf32>
      %reduce_sum3A = arith.constant dense<0.000000e+00> : vector<64xf32>
      %reduce_sum3A_65 = vector.multi_reduction <add>, %max3A_57, %reduce_sum3A [1] : vector<64x2048xf32> to vector<64xf32>
      %broadcast_in_dim3A = vector.shape_cast %reduce_sum3A_65 : vector<64xf32> to vector<64x1xf32>
      %add3A_66 = arith.addf %get3A_64, %broadcast_in_dim3A : vector<64x1xf32>
      %swap3A_67 = arith.constant 0 : index
      %swap3A_68 = arith.constant 0 : index
      %swap3A_69 = vector.load %arg17[%swap3A_67, %swap3A_68] : memref<64x8xf32, #tpu.memory_space<vmem>>, vector<64x1xf32>
      tpu.vector_store %arg17[%swap3A_67, %swap3A_68], %add3A_66 {strides = array<i32>} : memref<64x8xf32, #tpu.memory_space<vmem>>, vector<64x1xf32>,
      %get3A_70 = arith.constant 0 : index
      %get3A_71 = arith.constant 1 : index
      %get3A_72 = vector.load %arg17[%get3A_70, %get3A_71] : memref<64x8xf32, #tpu.memory_space<vmem>>, vector<64x1xf32>
      %mul3A_73 = arith.mulf %max3A_57, %max3A_57 : vector<64x2048xf32>
      %reduce_sum3A_74 = arith.constant dense<0.000000e+00> : vector<64xf32>
      %reduce_sum3A_75 = vector.multi_reduction <add>, %mul3A_73, %reduce_sum3A_74 [1] : vector<64x2048xf32> to vector<64xf32>
      %broadcast_in_dim3A_76 = vector.shape_cast %reduce_sum3A_75 : vector<64xf32> to vector<64x1xf32>
      %add3A_77 = arith.addf %get3A_72, %broadcast_in_dim3A_76 : vector<64x1xf32>
      %swap3A_78 = arith.constant 0 : index
      %swap3A_79 = arith.constant 1 : index
      %swap3A_80 = vector.load %arg17[%swap3A_78, %swap3A_79] : memref<64x8xf32, #tpu.memory_space<vmem>>, vector<64x1xf32>
      tpu.vector_store %arg17[%swap3A_78, %swap3A_79], %add3A_77 {strides = array<i32>} : memref<64x8xf32, #tpu.memory_space<vmem>>, vector<64x1xf32>,
    } else {
    }
    %eq3A_22 = arith.constant 2 : i32
    %eq3A_23 = arith.cmpi eq, %arg0, %eq3A_22 : i32
    %eq3A_24 = arith.constant 0 : i32
    %eq3A_25 = arith.cmpi eq, %arg1, %eq3A_24 : i32
    %and3A_26 = arith.andi %eq3A_23, %eq3A_25 : i1
    %convert_element_type3A_27 = arith.extui %and3A_26 : i1 to i32
    %cond3A_28 = arith.constant 0 : i32
    %cond3A_29 = arith.cmpi ne, %convert_element_type3A_27, %cond3A_28 : i32
    scf.if %cond3A_29 {
      %get3A = arith.constant 0 : index
      %get3A_35 = arith.constant 0 : index
      %get3A_36 = vector.load %arg17[%get3A, %get3A_35] : memref<64x8xf32, #tpu.memory_space<vmem>>, vector<64x1xf32>
      %mul3A = arith.constant 6.10351563E-5 : f32
      %mul3A_37 = vector.broadcast %mul3A : f32 to vector<64x1xf32>
      %mul3A_38 = arith.mulf %get3A_36, %mul3A_37 : vector<64x1xf32>
      %get3A_39 = arith.constant 0 : index
      %get3A_40 = arith.constant 1 : index
      %get3A_41 = vector.load %arg17[%get3A_39, %get3A_40] : memref<64x8xf32, #tpu.memory_space<vmem>>, vector<64x1xf32>
      %mul3A_42 = arith.constant 6.10351563E-5 : f32
      %mul3A_43 = vector.broadcast %mul3A_42 : f32 to vector<64x1xf32>
      %mul3A_44 = arith.mulf %get3A_41, %mul3A_43 : vector<64x1xf32>
      %mul3A_45 = arith.mulf %mul3A_38, %mul3A_38 : vector<64x1xf32>
      %sub3A = arith.subf %mul3A_44, %mul3A_45 : vector<64x1xf32>
      %get3A_46 = arith.constant 0 : index
      %get3A_47 = arith.constant 0 : index
      %get3A_48 = vector.load %arg9[%get3A_46, %get3A_47] : memref<64x1xf32, #tpu.memory_space<vmem>>, vector<64x1xf32>
      %add3A = arith.constant 9.99999974E-6 : f32
      %add3A_49 = vector.broadcast %add3A : f32 to vector<64x1xf32>
      %add3A_50 = arith.addf %sub3A, %add3A_49 : vector<64x1xf32>
      %rsqrt3A = math.rsqrt %add3A_50 : vector<64x1xf32>
      %mul3A_51 = arith.mulf %get3A_48, %rsqrt3A : vector<64x1xf32>
      %swap3A = arith.constant 0 : index
      %swap3A_52 = arith.constant 2 : index
      %swap3A_53 = vector.load %arg17[%swap3A, %swap3A_52] : memref<64x8xf32, #tpu.memory_space<vmem>>, vector<64x1xf32>
      tpu.vector_store %arg17[%swap3A, %swap3A_52], %mul3A_51 {strides = array<i32>} : memref<64x8xf32, #tpu.memory_space<vmem>>, vector<64x1xf32>,
      %get3A_54 = arith.constant 0 : index
      %get3A_55 = arith.constant 0 : index
      %get3A_56 = vector.load %arg10[%get3A_54, %get3A_55] : memref<64x1xf32, #tpu.memory_space<vmem>>, vector<64x1xf32>
      %mul3A_57 = arith.mulf %mul3A_38, %mul3A_51 : vector<64x1xf32>
      %sub3A_58 = arith.subf %get3A_56, %mul3A_57 : vector<64x1xf32>
      %swap3A_59 = arith.constant 0 : index
      %swap3A_60 = arith.constant 3 : index
      %swap3A_61 = vector.load %arg17[%swap3A_59, %swap3A_60] : memref<64x8xf32, #tpu.memory_space<vmem>>, vector<64x1xf32>
      tpu.vector_store %arg17[%swap3A_59, %swap3A_60], %sub3A_58 {strides = array<i32>} : memref<64x8xf32, #tpu.memory_space<vmem>>, vector<64x1xf32>,
    } else {
    }
    %eq3A_30 = arith.constant 2 : i32
    %eq3A_31 = arith.cmpi eq, %arg0, %eq3A_30 : i32
    %convert_element_type3A_32 = arith.extui %eq3A_31 : i1 to i32
    %cond3A_33 = arith.constant 0 : i32
    %cond3A_34 = arith.cmpi ne, %convert_element_type3A_32, %cond3A_33 : i32
    scf.if %cond3A_34 {
      %mul3A = arith.constant 2048 : i32
      %mul3A_35 = arith.muli %arg1, %mul3A : i32
      %get3A = arith.constant 0 : index
      %get3A_36 = arith.index_cast %mul3A_35 : i32 to index
      %get3A_37 = vector.load %arg15[%get3A, %get3A_36] : memref<64x16384xf32, #tpu.memory_space<vmem>>, vector<64x2048xf32>
      %get3A_38 = arith.constant 0 : index
      %get3A_39 = arith.constant 2 : index
      %get3A_40 = vector.load %arg17[%get3A_38, %get3A_39] : memref<64x8xf32, #tpu.memory_space<vmem>>, vector<64x1xf32>
      %mul3A_41 = vector.broadcast %get3A_40 : vector<64x1xf32> to vector<64x2048xf32>
      %mul3A_42 = arith.mulf %get3A_37, %mul3A_41 : vector<64x2048xf32>
      %get3A_43 = arith.constant 0 : index
      %get3A_44 = arith.constant 3 : index
      %get3A_45 = vector.load %arg17[%get3A_43, %get3A_44] : memref<64x8xf32, #tpu.memory_space<vmem>>, vector<64x1xf32>
      %add3A = vector.broadcast %get3A_45 : vector<64x1xf32> to vector<64x2048xf32>
      %add3A_46 = arith.addf %mul3A_42, %add3A : vector<64x2048xf32>
      %get3A_47 = arith.constant 0 : index
      %get3A_48 = arith.constant 0 : index
      %get3A_49 = vector.load %arg11[%get3A_47, %get3A_48] : memref<64x1xf32, #tpu.memory_space<vmem>>, vector<64x1xf32>
      %mul3A_50 = vector.broadcast %get3A_49 : vector<64x1xf32> to vector<64x2048xf32>
      %mul3A_51 = arith.mulf %add3A_46, %mul3A_50 : vector<64x2048xf32>
      %reduce_sum3A = arith.constant dense<0.000000e+00> : vector<2048xf32>
      %reduce_sum3A_52 = vector.multi_reduction <add>, %mul3A_51, %reduce_sum3A [0] : vector<64x2048xf32> to vector<2048xf32>
      %broadcast_in_dim3A = vector.shape_cast %reduce_sum3A_52 : vector<2048xf32> to vector<1x2048xf32>
      %get3A_53 = arith.constant 0 : index
      %get3A_54 = arith.constant 0 : index
      %get3A_55 = vector.load %arg12[%get3A_53, %get3A_54] : memref<1x1xf32, #tpu.memory_space<vmem>>, vector<1x1xf32>
      %add3A_56 = vector.broadcast %get3A_55 : vector<1x1xf32> to vector<1x2048xf32>
      %add3A_57 = arith.addf %broadcast_in_dim3A, %add3A_56 : vector<1x2048xf32>
      %swap3A = arith.constant 0 : index
      %swap3A_58 = arith.constant 0 : index
      %swap3A_59 = vector.load %arg13[%swap3A, %swap3A_58] : memref<1x2048xf32, #tpu.memory_space<vmem>>, vector<1x2048xf32>
      tpu.vector_store %arg13[%swap3A, %swap3A_58], %add3A_57 {strides = array<i32>} : memref<1x2048xf32, #tpu.memory_space<vmem>>, vector<1x2048xf32>,
    } else {
    }
    return
  }
  func.func @transform_0(%arg0: i32, %arg1: i32) -> (i32, i32) {
    %eq3A = arith.constant 0 : i32
    %eq3A_0 = arith.cmpi eq, %arg0, %eq3A : i32
    %jit3A = arith.constant 0 : i32
    %select_n3A = arith.select %eq3A_0, %arg1, %jit3A : i32
    %c0_i32 = arith.constant 0 : i32
    %c0_i32_1 = arith.constant 0 : i32
    return %c0_i32, %select_n3A : i32, i32
  }
  func.func @transform_1(%arg0: i32, %arg1: i32) -> (i32, i32) {
    %c0_i32 = arith.constant 0 : i32
    %c0_i32_0 = arith.constant 0 : i32
    %c0_i32_1 = arith.constant 0 : i32
    return %c0_i32, %c0_i32_0 : i32, i32
  }
  func.func @transform_2(%arg0: i32, %arg1: i32) -> (i32, i32) {
    %c0_i32 = arith.constant 0 : i32
    %c0_i32_0 = arith.constant 0 : i32
    %c0_i32_1 = arith.constant 0 : i32
    return %c0_i32, %c0_i32_0 : i32, i32
  }
  func.func @transform_3(%arg0: i32, %arg1: i32) -> (i32, i32) {
    %c0_i32 = arith.constant 0 : i32
    %c0_i32_0 = arith.constant 0 : i32
    %c0_i32_1 = arith.constant 0 : i32
    return %c0_i32, %c0_i32_0 : i32, i32
  }
  func.func @transform_4(%arg0: i32, %arg1: i32) -> (i32, i32) {
    %c0_i32 = arith.constant 0 : i32
    %c0_i32_0 = arith.constant 0 : i32
    %c0_i32_1 = arith.constant 0 : i32
    return %c0_i32, %c0_i32_0 : i32, i32
  }
  func.func @transform_5(%arg0: i32, %arg1: i32) -> (i32, i32) {
    %c0_i32 = arith.constant 0 : i32
    %c0_i32_0 = arith.constant 0 : i32
    %c0_i32_1 = arith.constant 0 : i32
    return %c0_i32, %c0_i32_0 : i32, i32
  }
  func.func @transform_6(%arg0: i32, %arg1: i32) -> (i32, i32) {
    %c0_i32 = arith.constant 0 : i32
    %c0_i32_0 = arith.constant 0 : i32
    %c0_i32_1 = arith.constant 0 : i32
    return %c0_i32, %c0_i32_0 : i32, i32
  }
  func.func @transform_7(%arg0: i32, %arg1: i32) -> (i32, i32) {
    %c0_i32 = arith.constant 0 : i32
    %c0_i32_0 = arith.constant 0 : i32
    %c0_i32_1 = arith.constant 0 : i32
    return %c0_i32, %c0_i32_0 : i32, i32
  }
  func.func @transform_8(%arg0: i32, %arg1: i32) -> (i32, i32) {
    %c0_i32 = arith.constant 0 : i32
    %c0_i32_0 = arith.constant 0 : i32
    %c0_i32_1 = arith.constant 0 : i32
    return %c0_i32, %c0_i32_0 : i32, i32
  }
  func.func @transform_9(%arg0: i32, %arg1: i32) -> (i32, i32) {
    %c0_i32 = arith.constant 0 : i32
    %c0_i32_0 = arith.constant 0 : i32
    %c0_i32_1 = arith.constant 0 : i32
    return %c0_i32, %c0_i32_0 : i32, i32
  }
  func.func @transform_10(%arg0: i32, %arg1: i32) -> (i32, i32) {
    %c0_i32 = arith.constant 0 : i32
    %c0_i32_0 = arith.constant 0 : i32
    %c0_i32_1 = arith.constant 0 : i32
    return %c0_i32, %c0_i32_0 : i32, i32
  }
  func.func @transform_11(%arg0: i32, %arg1: i32) -> (i32, i32) {
    %eq3A = arith.constant 2 : i32
    %eq3A_0 = arith.cmpi eq, %arg0, %eq3A : i32
    %jit3A = arith.constant 0 : i32
    %select_n3A = arith.select %eq3A_0, %arg1, %jit3A : i32
    %c0_i32 = arith.constant 0 : i32
    %c0_i32_1 = arith.constant 0 : i32
    return %c0_i32, %select_n3A : i32, i32
  }
}

</mosaic_0001>

<sc_bundles>
// kernel: kernel.4.cloned.1.call-start
scs
__scs_entry_jumppad:
0x0: {  	(pc) =	sbr.rel $0x88, $3  }
0x1: {  	(tag) =	ssettag $0x0;
	lr =	simm.s32 $0x1  }
0x2: {  	[smem:$0x3F95] =	sst lr;
	_ =	strace $0xD0000000  }
0x3: {  	_ = 	snop  }
0x4: {  	_ = 	snop  }
0x5: {  	_ = 	snop  }
0x6: {  	_ = 	snop  }
0x7: {  	_ = 	snop  }
__scs_overlays_trampoline_lowered:
0x8: {  	[smem:$0x3FA4] =	sst s0  }
0x9: {  	[smem:$0x3FA5] =	sst s1  }
0xa: {  	[smem:$0x3FA6] =	sst s2  }
0xb: {  	[smem:$0x3FA7] =	sst s3  }
0xc: {  	[smem:$0x3FA8] =	sst s4  }
0xd: {  	[smem:$0x3FA9] =	sst s5  }
0xe: {  	[smem:$0x3FAA] =	sst s6  }
0xf: {  	[smem:$0x3FAB] =	sst s7  }
0x10: {  	[smem:$0x3FAC] =	sst s8  }
0x11: {  	[smem:$0x3FAD] =	sst s9;
	s0 =	simm.s32 @!p0 $0x0  }
0x12: {  	s1 =	sld [smem:$0x3F93];
	s0 =	simm.s32 @p0 $0x1  }
0x13: {  	[smem:$0x3FAE] =	sst s0;
	s0 =	simm.s32 @!p1 $0x0  }
0x14: {  	s2 =	sld [smem:$0x3F92];
	s0 =	simm.s32 @p1 $0x1  }
0x15: {  	[smem:$0x3FAF] =	sst s0;
	s0 =	simm.s32 @!p2 $0x0  }
0x16: {  	s3 =	sld [smem:$0x3FDB];
	s0 =	simm.s32 @p2 $0x1  }
0x17: {  	s4 =	simm.s32 $0x1BF5;
	[smem:$0x3FB1] =	sst s0  }
0x18: {  	s0 =	sld [smem:$0x3F94];
	_ =	swait.ge [sflag:s4], $0x0  }
0x19: {  	s7 =	sld [smem:$0x3F95]  }
0x1a: {  	s8 =	sadd.s32 $0xFFFFE003, lr  }
0x1b: {  	s9 =	sadd.s32 $0xFFFFFEF7, lr;
	s5 =	simm.s32 $0xFFFFFFFF;
	p2 =	slt.u32 s8, $0xFFFFF086  }
0x1c: {  	p1 =	slt.u32 s9, $0xF7A;
	s5 =	simm.s32 @!p2 $0x0  }
0x1d: {  	s5 =	simm.s32 @p1 $0x1;
	p0 =	seq.s32 s7, s2  }
0x1e: {  	s7 =	smul.u32 @!p0 $0xF7A, s2;
	p2 =	seq.s32 @!p0 s5, $0x0  }
0x1f: {  	s9 =	smul.u32 $0xF7A, s1;
	s8 =	simm.s32 @!p0 $0x1BF5;
	p2 =	por !p2, p0  }
0x20: {  	[sflag:s8] =	ssyncset.s32 @!p0 $0xFFFFF086;
	s6 =	sadd.s32 @!p0 s3, s7;
	s7 =	simm.s32 @!p0 $0x108  }
0x21: {  	s3 =	sadd.s32 s3, s9;
	s6 =	sadd.s32 @!p0 $0x88, s6;
	s7 =	simm.s32 @p2 $0x1082  }
0x22: {  	[simem:s7], [sflag:s8] =	dma.local @!p0 [hbm:s6], $0xF7A  }
0x23: {  	s9 =	sor.u32 $0xD0000000, s2;
	s6 =	simm.s32 $0x108;
	_ =	swait.ge @!p0 [sflag:s8], $0x0  }
0x24: {  	s3 =	sadd.s32 $0x88, s3;
	s6 =	simm.s32 @!p1 $0x1082;
	[sflag:s4] =	ssyncset.s32 $0xFFFFF086  }
0x25: {  	[simem:s6], [sflag:s4] =	dma.local [hbm:s3], $0xF7A  }
0x26: {  	[smem:$0x3F95] =	sst s1;
	(tag) =	ssettag s2;
	_ =	strace s9  }
0x27: {  	s1 =	sld [smem:$0x3FA5]  }
0x28: {  	s2 =	sld [smem:$0x3FA6]  }
0x29: {  	s4 =	sld [smem:$0x3FA8]  }
0x2a: {  	p0 =	seq.s32 s5, $0x0;
	s5 =	sld [smem:$0x3FA9]  }
0x2b: {  	s6 =	sld [smem:$0x3FAA]  }
0x2c: {  	s7 =	sld [smem:$0x3FAB]  }
0x2d: {  	s3 =	simm.s32 $0x108;
	s8 =	sld [smem:$0x3FAC]  }
0x2e: {  	s3 =	simm.s32 @!p0 $0x1082;
	s9 =	sld [smem:$0x3FAD]  }
0x2f: {  	lr =	sadd.s32 s0, s3;
	s0 =	sld [smem:$0x3FA4]  }
0x30: {  	s3 =	sld [smem:$0x3FA7]  }
0x31: {  	[smem:$0x3FB0] =	sst s10  }
0x32: {  	s10 =	sld [smem:$0x3FAE];
	_ =	sdelay $0x3  }
0x33: {  	p0 =	seq.s32 s10, $0x1;
	s10 =	sld [smem:$0x3FB0];
	_ =	sdelay $0x3  }
0x34: {  	[smem:$0x3FB0] =	sst s10  }
0x35: {  	s10 =	sld [smem:$0x3FAF];
	_ =	sdelay $0x3  }
0x36: {  	p1 =	seq.s32 s10, $0x1;
	s10 =	sld [smem:$0x3FB0];
	_ =	sdelay $0x3  }
0x37: {  	[smem:$0x3FB0] =	sst s10  }
0x38: {  	s10 =	sld [smem:$0x3FB1]  }
0x39: {  	_ = 	snop;
	(pc) =	sbr.ind lr, $3  }
0x3a: {  	_ = 	snop  }
0x3b: {  	_ = 	snop  }
0x3c: {  	p2 =	seq.s32 s10, $0x1;
	s10 =	sld [smem:$0x3FB0]  }
0x3d: {  	_ =	shalt  }
0x3e: {  	_ =	shalt  }
0x3f: {  	_ =	shalt  }
0x40: {  	_ =	shalt  }
0x41: {  	_ =	shalt  }
0x42: {  	_ =	shalt  }
0x43: {  	_ =	shalt  }
0x44: {  	_ =	shalt  }
0x45: {  	_ =	shalt  }
0x46: {  	_ =	shalt  }
0x47: {  	_ =	shalt  }
0x48: {  	_ =	shalt  }
0x49: {  	_ =	shalt  }
0x4a: {  	_ =	shalt  }
0x4b: {  	_ =	shalt  }
0x4c: {  	_ =	shalt  }
0x4d: {  	_ =	shalt  }
0x4e: {  	_ =	shalt  }
0x4f: {  	_ =	shalt  }
0x50: {  	_ =	shalt  }
0x51: {  	_ =	shalt  }
0x52: {  	_ =	shalt  }
0x53: {  	_ =	shalt  }
0x54: {  	_ =	shalt  }
0x55: {  	_ =	shalt  }
0x56: {  	_ =	shalt  }
0x57: {  	_ =	shalt  }
0x58: {  	_ =	shalt  }
0x59: {  	_ =	shalt  }
0x5a: {  	_ =	shalt  }
0x5b: {  	_ =	shalt  }
0x5c: {  	_ =	shalt  }
0x5d: {  	_ =	shalt  }
0x5e: {  	_ =	shalt  }
0x5f: {  	_ =	shalt  }
0x60: {  	_ =	shalt  }
0x61: {  	_ =	shalt  }
0x62: {  	_ =	shalt  }
0x63: {  	_ =	shalt  }
0x64: {  	_ =	shalt  }
0x65: {  	_ =	shalt  }
0x66: {  	_ =	shalt  }
0x67: {  	_ =	shalt  }
0x68: {  	_ =	shalt  }
0x69: {  	_ =	shalt  }
0x6a: {  	_ =	shalt  }
0x6b: {  	_ =	shalt  }
0x6c: {  	_ =	shalt  }
0x6d: {  	_ =	shalt  }
0x6e: {  	_ =	shalt  }
0x6f: {  	_ =	shalt  }
0x70: {  	_ =	shalt  }
0x71: {  	_ =	shalt  }
0x72: {  	_ =	shalt  }
0x73: {  	_ =	shalt  }
0x74: {  	_ =	shalt  }
0x75: {  	_ =	shalt  }
0x76: {  	_ =	shalt  }
0x77: {  	_ =	shalt  }
0x78: {  	_ =	shalt  }
0x79: {  	_ =	shalt  }
0x7a: {  	_ =	shalt  }
0x7b: {  	_ =	shalt  }
0x7c: {  	_ =	shalt  }
0x7d: {  	_ =	shalt  }
0x7e: {  	_ =	shalt  }
0x7f: {  	_ =	shalt  }
0x80: {  	_ =	shalt  }
0x81: {  	_ =	shalt  }
0x82: {  	_ =	shalt  }
0x83: {  	_ =	shalt  }
0x84: {  	_ =	shalt  }
0x85: {  	_ =	shalt  }
0x86: {  	_ =	shalt  }
0x87: {  	_ =	shalt  }
.Lfunc_end0:
.L_simem_size_0:
called_computation_lowered:
.L_overlay_start_0:
0x88: {  	s2 =	sld [smem:$0x3FD9]  }
0x89: {  	s3 =	sld [smem:$0x3FFE];
	_ =	sdelay $0x1  }
0x8a: {  	s1 =	srdreg.scid  }
0x8b: {  	s0 =	sand.u32 $0x1, s1  }
0x8c: {  	s17 =	sshll.u32 s0, $0xA;
	s2 =	sadd.s32 s3, s2  }
0x8d: {  	s2 =	sadd.s32 s2, s17  }
0x8e: {  	[smem:$0x3FBC] =	sst s2  }
0x8f: {  	_ = 	snop  }
0x90: {  	s2 =	sld [smem:$0x3FC8];
	(tm) =	ssettm $0x1  }
0x91: {  	s18 =	sld [smem:$0x3FFB];
	_ =	sdelay $0x3  }
0x92: {  	_ =	strace s18  }
0x93: {  	s3 =	sld [smem:$0x3FFC];
	_ =	sdelay $0x3  }
0x94: {  	_ =	strace s3  }
0x95: {  	s3 =	sld [smem:$0x3FFD];
	_ =	sdelay $0x3  }
0x96: {  	_ =	strace s3  }
0x97: {  	_ =	strace $0x8FFFFFFF  }
0x98: {  	s19 =	sld [smem:$0x3FDB];
	_ =	sdelay $0x1  }
0x99: {  	s4 =	simm.s32 $_scs_section_size  }
0x9a: {  	s5 =	simm.s32 $_size__tile_overlayer_lowered;
	s6 =	simm.s32 $_tile_overlayer_lowered  }
0x9b: {  	s22 =	simm.s32 $0x1BFF;
	s21 =	sshll.u32 s6, $0x1;
	s3 =	sadd.s32 s4, s19  }
0x9c: {  	s7 =	simm.s32 $0x0;
	s20 =	sshll.u32 s5, $0x1;
	s5 =	sadd.s32 s21, s3  }
0x9d: {  	[timem:s7], [sflag:s22] =	dma.local [hbm:s5], s20  }
0x9e: {  	_ =	swait.ge [sflag:s22], s20  }
0x9f: {  	s4 =	ssub.s32 $0x0, s20;
	[sflag:s22] =	ssyncset.done $0x0  }
0xa0: {  	[sflag:s22] =	ssyncadd.s32 s4;
	_ =	sdelay $0x1  }
0xa1: {  	s23 =	simm.s32 $0x1B8B  }
0xa2: {  	_ =	swait.ge [sflag:s23], $0x1  }
0xa3: {  	[sflag:s23] =	ssyncset.done $0x0  }
0xa4: {  	s25 =	simm.s32 $0x1B8E;
	s24 =	sld [smem:$0x3FFE];
	[sflag:s23] =	ssyncadd.s32 $0xFFFFFFFF  }
0xa5: {  	s26 =	simm.s32 $execute0_lowered;
	[smem:$0x3FD2] =	sst s25  }
0xa6: {  	s5 =	sshll.u32 s26, $0x1;
	_ =	strace $0x80000046;
	[dreg:$0x1] =	wrdreg $0xFFFFFFFF  }
0xa7: {  	s28 =	simm.s32 $_size_execute0_lowered;
	s3 =	sadd.s32 s3, s5;
	[dreg:$0x0] =	wrdreg $0x0  }
0xa8: {  	s5 =	sshll.u32 s28, $0x1;
	[dreg:$0x2] =	wrdreg s3  }
0xa9: {  	[dreg:$0x3] =	wrdreg s5  }
0xaa: {  	[dreg:$0x4] =	wrdreg $0xC0  }
0xab: {  	_ =	task [dreg:s7], $0x5FFFF  }
0xac: {  	[dreg:$0x1] =	wrdreg $0xFFFFFFFF  }
0xad: {  	[dreg:$0x0] =	wrdreg $0x60  }
0xae: {  	[dreg:$0x2] =	wrdreg s24  }
0xaf: {  	[dreg:$0x3] =	wrdreg s2  }
0xb0: {  	[dreg:$0x4] =	wrdreg $0x9  }
0xb1: {  	_ =	task.clear_ibuf [dreg:s7], $0x5FFFF;
	_ =	strace $0x90000046  }
0xb2: {  	s29 =	simm.s32 $0x9;
	_ =	strace $0x80000048  }
0xb3: {  	_ =	swait.ge [sflag:s29], $0x1  }
0xb4: {  	[sflag:s29] =	ssyncadd.s32 $0xFFFFFFFF  }
0xb5: {  	_ =	strace $0x90000048  }
0xb6: {  	_ =	sfence  }
0xb7: {  	s30 =	sld [smem:$0x0];
	_ =	sdelay $0x2  }
0xb8: {  	s31 =	sshll.u32 s1, $0xD;
	s1 =	sshrl.u32 s1, $0x2  }
0xb9: {  	s3 =	sand.u32 $0x4000, s31;
	s1 =	sadd.s32 s1, s30  }
0xba: {  	s0 =	sor.u32 s3, s0;
	s1 =	sshll.u32 s1, $0x11  }
0xbb: {  	s0 =	sor.u32 s1, s0  }
0xbc: {  	s0 =	sadd.s32 $0x8F2B, s0  }
0xbd: {  	[sflag:s0] =	ssyncadd.remote.s32 $0x1  }
0xbe: {  	_ =	sfence.sel $0xFFFF  }
0xbf: {  	[dreg:$0x0] =	wrdreg $0xFFFFFFFF;
	(pc) =	sbr.abs _section_cstart, $3  }
0xc0: {  	[dreg:$0x1] =	wrdreg $0xFFFFFFFF  }
0xc1: {  	_ =	task.clear_ibuf [dreg:s7], $0x2FFFF;
	_ =	strace $0x9FFFFFFF  }
0xc2: {  	(tm) =	ssettm $0x7FFFFFFF  }
0xc3: {  	_ =	shalt  }
tec
execute0_lowered:
.L_overlay_start_1:
0x0: {  	(tag) =	ssettag $0x1  }
0x1: {  	s9 =	rddreg [dreg:$0x0]  }
0x2: {  	s1 =	rddreg [dreg:$0x1]  }
0x3: {  	s0 =	rddreg [dreg:$0x2];
	s2 =	simm.s32 $0x0  }
0x4: {  	s3 =	srdreg.scid;
	s12 =	simm.s32 $0x80;
	s13 =	simm.s32 $0x400  }
0x5: {  	s14 =	simm.s32 $0x3;
	s15 =	simm.s32 $0x4000;
	s16 =	simm.s32 $0xA180  }
0x6: {  	s17 =	simm.s32 $0x10300;
	s18 =	simm.s32 $0x16480;
	s19 =	simm.s32 $0x1E700  }
0x7: {  	s20 =	simm.s32 $0x2;
	s21 =	simm.s32 $0x1C700;
	s22 =	simm.s32 $0x1D700  }
0x8: {  	s23 =	simm.s32 $0x0;
	[smem:$0x7FF] =	sst s2;
	s6 =	sand.u32 $0x1, s3  }
0x9: {  	s3 =	stileid.u32;
	s4 =	sadd.s32 $0x1600, s9;
	s7 =	ssub.s32 $0x2, s6  }
0xa: {  	s5 =	sadd.s32 $0x11600, s9;
	s10 =	sshll.u32 s3, $0x1;
	s8 =	sshrl.u32 s7, $0x1  }
0xb: {  	_ =	strace $0x80000047;
	s6 =	sor.u32 s6, s10;
	s11 =	ssub.s32 s7, s8  }
0xc: {  	s6 =	smul.u32 $0x1A, s6;
	s7 =	sadd.s32 $0x12600, s9;
	s8 =	sadd.s32 $0x13600, s9  }
0xd: {  	s9 =	sadd.s32 $0x14600, s9;
	s10 =	smax.u32 s11, $0x1;
	s11 =	simm.s32 $0x1  }
.LBB2_1:
0xe: {  	s24 =	simm.s32 $0x0  }
.LBB2_2:
0xf: {  	s26 =	sadd.s32 s6, s24  }
0x10: {  	s25 =	sadd.s32 $0xFFFFFFFF, s26  }
0x11: {  	s28 =	sand.u32 $0x1F, s25  }
0x12: {  	p0 =	slt.u32 s26, $0x2;
	s29 =	sshra.s32 s25, $0x1F;
	p1 =	sne.s32 s28, $0x0  }
0x13: {  	s28 =	sshrl.u32 s29, $0x1B;
	p0 =	por !p0, !p1  }
0x14: {  	s25 =	sadd.s32 s28, s25;
	s28 =	simm.s32 $0x1;
	p0 =	por !p0, !p0  }
0x15: {  	s29 =	sshra.s32 s25, $0x5;
	s28 =	simm.s32 @!p0 $0x0  }
0x16: {  	s25 =	sshrl.u32 s26, $0x5;
	p0 =	seq.s32 s24, $0x0;
	s28 =	ssub.s32 s29, s28  }
0x17: {  	p1 =	seq.s32 @!p0 s25, s28  }
0x18: {  	p0 =	por p0, !p1  }
0x19: {  	s28 =	sshll.u32 @p0 s25, $0x4  }
0x1a: {  	s25 =	sshll.u32 @p0 s25, $0xB;
	s28 =	sand.u32 @p0 $0x70, s28  }
0x1b: {  	s25 =	sand.u32 @p0 $0xFFFC000, s25;
	s28 =	sadd.s32 @p0 s4, s28  }
0x1c: {  	s25 =	sadd.s32 @p0 s25, s28  }
0x1d: {  	[tilespmem:s2], [sflag:$0x3] =	stream.strided.gather @p0 [hbm4b:s25+s12], $0x4000, s13, s12, $0x38;
	[tilespmem:$0x1E800] =	vst v63  }
0x1e: {  	s25 =	sshrl.u32 s26, $0x3  }
0x1f: {  	s26 =	sshll.u32 s26, $0x7;
	s28 =	smul.u32 $0xC3800, s25  }
0x20: {  	s26 =	sand.u32 $0x380, s26  }
0x21: {  	_ =	swait.ge @p0 [sflag:s14], $0x4000;
	s29 =	sor.u32 s26, s28  }
0x22: {  	[sflag:s14] =	ssyncset.done @p0 $0x0;
	s28 =	sshrl.u32 s29, $0x3  }
0x23: {  	[sflag:s14] =	ssyncadd.s32 @p0 $0xFFFFC000;
	s30 =	sadd.s32 s1, s28;
	s28 =	simm.s32 $0x80  }
0x24: {  	[tilespmem:s15], [sflag:$0x2] =	stream.strided.gather [hbm4b:s30+s28], $0x6180, s13, s28, $0x38;
	[tilespmem:$0x1E800] =	vst v63  }
0x25: {  	s30 =	sadd.s32 $0x30C00, s29  }
0x26: {  	s30 =	sshrl.u32 s30, $0x3  }
0x27: {  	s30 =	sadd.s32 s1, s30  }
0x28: {  	[tilespmem:s16], [sflag:$0x2] =	stream.strided.gather [hbm4b:s30+s28], $0x6180, s13, s28, $0x38;
	[tilespmem:$0x1E800] =	vst v63  }
0x29: {  	s30 =	sadd.s32 $0x61800, s29  }
0x2a: {  	s30 =	sshrl.u32 s30, $0x3  }
0x2b: {  	s30 =	sadd.s32 s1, s30  }
0x2c: {  	[tilespmem:s17], [sflag:$0x2] =	stream.strided.gather [hbm4b:s30+s28], $0x6180, s13, s28, $0x38;
	[tilespmem:$0x1E800] =	vst v63  }
0x2d: {  	s30 =	sadd.s32 $0x92400, s29  }
0x2e: {  	s29 =	sadd.s32 $0xC3000, s29;
	s30 =	sshrl.u32 s30, $0x3  }
0x2f: {  	s29 =	sshrl.u32 s29, $0x3;
	s30 =	sadd.s32 s1, s30  }
0x30: {  	[tilespmem:s18], [sflag:$0x2] =	stream.strided.gather [hbm4b:s30+s28], $0x6180, s13, s28, $0x38;
	[tilespmem:$0x1E800] =	vst v63  }
0x31: {  	s29 =	sadd.s32 s1, s29  }
0x32: {  	[tilespmem:s19], [sflag:$0x2] =	stream.strided.gather [hbm4b:s29+s28], $0x100, s13, s28, $0x38;
	[tilespmem:$0x1E800] =	vst v63  }
0x33: {  	_ =	swait.ge [sflag:s20], $0x6180  }
0x34: {  	[sflag:s20] =	ssyncset.done $0x0  }
0x35: {  	[sflag:s20] =	ssyncadd.s32 $0xFFFF9E80  }
0x36: {  	_ =	swait.ge [sflag:s20], $0x6180  }
0x37: {  	[sflag:s20] =	ssyncset.done $0x0  }
0x38: {  	[sflag:s20] =	ssyncadd.s32 $0xFFFF9E80  }
0x39: {  	_ =	swait.ge [sflag:s20], $0x6180  }
0x3a: {  	[sflag:s20] =	ssyncset.done $0x0  }
0x3b: {  	[sflag:s20] =	ssyncadd.s32 $0xFFFF9E80  }
0x3c: {  	_ =	swait.ge [sflag:s20], $0x6180  }
0x3d: {  	[sflag:s20] =	ssyncset.done $0x0  }
0x3e: {  	[sflag:s20] =	ssyncadd.s32 $0xFFFF9E80  }
0x3f: {  	_ =	swait.ge [sflag:s20], $0x100  }
0x40: {  	[sflag:s20] =	ssyncset.done $0x0  }
0x41: {  	[sflag:s20] =	ssyncadd.s32 $0xFFFFFF00  }
0x42: {  	v0 =	vld [tilespmem:$0x1E700]  }
0x43: {  	v1 =	vld [tilespmem:$0x1E710]  }
0x44: {  	v2 =	vld [tilespmem:$0x1E720]  }
0x45: {  	v3 =	vld [tilespmem:$0x1E730]  }
0x46: {  	v4 =	vld [tilespmem:$0x1E740]  }
0x47: {  	[tilespmem:$0x1C600] =	vst v0;
	v0 =	vld [tilespmem:$0x1E750]  }
0x48: {  	[tilespmem:$0x1C610] =	vst v1;
	v1 =	vld [tilespmem:$0x1E760]  }
0x49: {  	[tilespmem:$0x1C620] =	vst v2;
	v2 =	vld [tilespmem:$0x1E770]  }
0x4a: {  	[tilespmem:$0x1C630] =	vst v3;
	v3 =	vld [tilespmem:$0x1E780]  }
0x4b: {  	[tilespmem:$0x1C640] =	vst v4;
	v4 =	vld [tilespmem:$0x1E790]  }
0x4c: {  	[tilespmem:$0x1C650] =	vst v0  }
0x4d: {  	[tilespmem:$0x1C660] =	vst v1  }
0x4e: {  	[tilespmem:$0x1C670] =	vst v2  }
0x4f: {  	[tilespmem:$0x1C680] =	vst v3  }
0x50: {  	[tilespmem:$0x1C690] =	vst v4  }
0x51: {  	v0 =	vld [tilespmem:s28+$0x70]  }
0x52: {  	v1 =	vld [tilespmem:s28+$0xFFFFFF90]  }
0x53: {  	v2 =	vld [tilespmem:s28+$0xFFFFFFA0]  }
0x54: {  	v3 =	vld [tilespmem:s28+$0xFFFFFFB0]  }
0x55: {  	v4 =	vld [tilespmem:s28+$0xFFFFFFC0]  }
0x56: {  	v5 =	vld [tilespmem:s28+$0xFFFFFFD0]  }
0x57: {  	v6 =	vld [tilespmem:s28+$0xFFFFFFE0]  }
0x58: {  	v7 =	vld [tilespmem:s28+$0xFFFFFFF0]  }
0x59: {  	v8 =	vld [tilespmem:s28+$0x0]  }
0x5a: {  	v9 =	vld [tilespmem:s28+$0x10]  }
0x5b: {  	v10 =	vld [tilespmem:s28+$0x20]  }
0x5c: {  	v11 =	vld [tilespmem:s28+$0x30]  }
0x5d: {  	v12 =	vld [tilespmem:s28+$0x40]  }
0x5e: {  	v13 =	vld [tilespmem:s28+$0x50]  }
0x5f: {  	v14 =	vld [tilespmem:s28+$0x60]  }
0x60: {  	v15 =	vld [tilespmem:s28+$0xFFFFFF80]  }
0x61: {  	v0 =	vld.idx.msk [tilespmem:v0+s15+$0x0], $0xffff  }
0x62: {  	v1 =	vld.idx.msk [tilespmem:v1+s15+$0x0], $0xffff  }
0x63: {  	v2 =	vld.idx.msk [tilespmem:v2+s15+$0x0], $0xffff  }
0x64: {  	v3 =	vld.idx.msk [tilespmem:v3+s15+$0x0], $0xffff  }
0x65: {  	v4 =	vld.idx.msk [tilespmem:v4+s15+$0x0], $0xffff  }
0x66: {  	s28 =	simm.s32 $0x1C780;
	v5 =	vld.idx.msk [tilespmem:v5+s15+$0x0], $0xffff  }
0x67: {  	v6 =	vld.idx.msk [tilespmem:v6+s15+$0x0], $0xffff;
	[tilespmem:s28+$0x70] =	vst v0  }
0x68: {  	v7 =	vld.idx.msk [tilespmem:v7+s15+$0x0], $0xffff;
	[tilespmem:s28+$0xFFFFFF90] =	vst v1  }
0x69: {  	v15 =	vld.idx.msk [tilespmem:v15+s15+$0x0], $0xffff;
	[tilespmem:s28+$0xFFFFFFA0] =	vst v2  }
0x6a: {  	v8 =	vld.idx.msk [tilespmem:v8+s15+$0x0], $0xffff;
	[tilespmem:s28+$0xFFFFFFB0] =	vst v3  }
0x6b: {  	[tilespmem:s28+$0xFFFFFFC0] =	vst v4;
	v0 =	vld.idx.msk [tilespmem:v9+s15+$0x0], $0xffff  }
0x6c: {  	[tilespmem:s28+$0xFFFFFFD0] =	vst v5;
	v1 =	vld.idx.msk [tilespmem:v10+s15+$0x0], $0xffff  }
0x6d: {  	[tilespmem:s28+$0xFFFFFFE0] =	vst v6;
	v2 =	vld.idx.msk [tilespmem:v11+s15+$0x0], $0xffff  }
0x6e: {  	[tilespmem:s28+$0xFFFFFFF0] =	vst v7;
	v3 =	vld.idx.msk [tilespmem:v12+s15+$0x0], $0xffff  }
0x6f: {  	[tilespmem:s28+$0xFFFFFF80] =	vst v15;
	v4 =	vld.idx.msk [tilespmem:v13+s15+$0x0], $0xffff  }
0x70: {  	s30 =	simm.s32 $0x180;
	s29 =	simm.s32 $0x0;
	[tilespmem:s28+$0x0] =	vst v8;
	v5 =	vld.idx.msk [tilespmem:v14+s15+$0x0], $0xffff  }
.LBB2_3:
0x71: {  	v6 =	vld [tilespmem:s30+$0x70];
	s29 =	sadd.s32 $0x100, s29;
	[tilespmem:s28+$0x10] =	vst v0  }
0x72: {  	v0 =	vld [tilespmem:s30+$0xFFFFFF90];
	p0 =	slt.u32 s29, $0xF00;
	[tilespmem:s28+$0x20] =	vst v1  }
0x73: {  	v1 =	vld [tilespmem:s30+$0xFFFFFFA0];
	[tilespmem:s28+$0x30] =	vst v2  }
0x74: {  	v2 =	vld [tilespmem:s30+$0xFFFFFFB0];
	[tilespmem:s28+$0x40] =	vst v3  }
0x75: {  	v3 =	vld [tilespmem:s30+$0xFFFFFFC0];
	[tilespmem:s28+$0x50] =	vst v4  }
0x76: {  	v4 =	vld [tilespmem:s30+$0xFFFFFFD0];
	[tilespmem:s28+$0x60] =	vst v5  }
0x77: {  	v5 =	vld [tilespmem:s30+$0xFFFFFFE0]  }
0x78: {  	v7 =	vld [tilespmem:s30+$0xFFFFFFF0]  }
0x79: {  	v6 =	vld.idx.msk [tilespmem:v6+s15+$0x0], $0xffff  }
0x7a: {  	v8 =	vld [tilespmem:s30+$0x0]  }
0x7b: {  	v9 =	vld [tilespmem:s30+$0x10]  }
0x7c: {  	v10 =	vld [tilespmem:s30+$0x20]  }
0x7d: {  	v11 =	vld [tilespmem:s30+$0x30]  }
0x7e: {  	s28 =	sadd.s32 $0x100, s28;
	v12 =	vld [tilespmem:s30+$0x40]  }
0x7f: {  	v13 =	vld [tilespmem:s30+$0x50];
	[tilespmem:s28+$0x70] =	vst v6  }
0x80: {  	v6 =	vld [tilespmem:s30+$0x60]  }
0x81: {  	v14 =	vld [tilespmem:s30+$0xFFFFFF80]  }
0x82: {  	v0 =	vld.idx.msk [tilespmem:v0+s15+$0x0], $0xffff  }
0x83: {  	v1 =	vld.idx.msk [tilespmem:v1+s15+$0x0], $0xffff  }
0x84: {  	v2 =	vld.idx.msk [tilespmem:v2+s15+$0x0], $0xffff  }
0x85: {  	v3 =	vld.idx.msk [tilespmem:v3+s15+$0x0], $0xffff  }
0x86: {  	v4 =	vld.idx.msk [tilespmem:v4+s15+$0x0], $0xffff  }
0x87: {  	v5 =	vld.idx.msk [tilespmem:v5+s15+$0x0], $0xffff  }
0x88: {  	[tilespmem:s28+$0xFFFFFF90] =	vst v0;
	v7 =	vld.idx.msk [tilespmem:v7+s15+$0x0], $0xffff  }
0x89: {  	v14 =	vld.idx.msk [tilespmem:v14+s15+$0x0], $0xffff;
	[tilespmem:s28+$0xFFFFFFA0] =	vst v1  }
0x8a: {  	[tilespmem:s28+$0xFFFFFFB0] =	vst v2;
	v8 =	vld.idx.msk [tilespmem:v8+s15+$0x0], $0xffff  }
0x8b: {  	[tilespmem:s28+$0xFFFFFFC0] =	vst v3;
	v0 =	vld.idx.msk [tilespmem:v9+s15+$0x0], $0xffff  }
.Ltmp0:
0x8c: {  	[tilespmem:s28+$0xFFFFFFD0] =	vst v4;
	v1 =	vld.idx.msk [tilespmem:v10+s15+$0x0], $0xffff;
	(pc) =	sbr.rel @p0 .LBB2_3-.Ltmp0, $4  }
0x8d: {  	[tilespmem:s28+$0xFFFFFFE0] =	vst v5;
	v2 =	vld.idx.msk [tilespmem:v11+s15+$0x0], $0xffff  }
0x8e: {  	[tilespmem:s28+$0xFFFFFFF0] =	vst v7;
	v3 =	vld.idx.msk [tilespmem:v12+s15+$0x0], $0xffff  }
0x8f: {  	[tilespmem:s28+$0xFFFFFF80] =	vst v14;
	v4 =	vld.idx.msk [tilespmem:v13+s15+$0x0], $0xffff  }
0x90: {  	s30 =	sadd.s32 $0x100, s30;
	[tilespmem:s28+$0x0] =	vst v8;
	v5 =	vld.idx.msk [tilespmem:v6+s15+$0x0], $0xffff  }
0x91: {  	[tilespmem:s28+$0x10] =	vst v0  }
0x92: {  	[tilespmem:s28+$0x20] =	vst v1  }
0x93: {  	s25 =	sshll.u32 s25, $0x11;
	[tilespmem:s28+$0x30] =	vst v2  }
0x94: {  	s25 =	sor.u32 s26, s25;
	[tilespmem:s28+$0x40] =	vst v3  }
0x95: {  	s25 =	sshrl.u32 s25, $0x3;
	[tilespmem:s28+$0x50] =	vst v4  }
0x96: {  	s31 =	simm.s32 $0x10F0;
	s30 =	sadd.s32 s5, s25;
	[tilespmem:s28+$0x60] =	vst v5  }
0x97: {  	[hbm4b:s30+s12] =	stream.strided.scatter [tilespmem:s21], [sflag:$0x1], $0x1000, s13, s12, $0x38;
	[tilespmem:$0x1E800] =	vst v63  }
0x98: {  	v0 =	vld [tilespmem:s31+$0x0]  }
0x99: {  	v1 =	vld [tilespmem:s31+$0xFFFFFF20]  }
0x9a: {  	v2 =	vld [tilespmem:s31+$0xFFFFFF30]  }
0x9b: {  	v3 =	vld [tilespmem:s31+$0xFFFFFF40]  }
0x9c: {  	v4 =	vld [tilespmem:s31+$0xFFFFFF50]  }
0x9d: {  	v5 =	vld [tilespmem:s31+$0xFFFFFF60]  }
0x9e: {  	v6 =	vld [tilespmem:s31+$0xFFFFFF70]  }
0x9f: {  	v7 =	vld [tilespmem:s31+$0xFFFFFF80]  }
0xa0: {  	v8 =	vld [tilespmem:s31+$0xFFFFFF90]  }
0xa1: {  	v9 =	vld [tilespmem:s31+$0xFFFFFFA0]  }
0xa2: {  	v10 =	vld [tilespmem:s31+$0xFFFFFFB0]  }
0xa3: {  	v11 =	vld [tilespmem:s31+$0xFFFFFFC0]  }
0xa4: {  	v12 =	vld [tilespmem:s31+$0xFFFFFFD0]  }
0xa5: {  	v13 =	vld [tilespmem:s31+$0xFFFFFFE0]  }
0xa6: {  	v14 =	vld [tilespmem:s31+$0xFFFFFFF0]  }
0xa7: {  	v15 =	vld [tilespmem:s31+$0xFFFFFF10]  }
0xa8: {  	v0 =	vld.idx.msk [tilespmem:v0+s15+$0x0], $0xffff  }
0xa9: {  	v1 =	vld.idx.msk [tilespmem:v1+s15+$0x0], $0xffff  }
0xaa: {  	v2 =	vld.idx.msk [tilespmem:v2+s15+$0x0], $0xffff  }
0xab: {  	v3 =	vld.idx.msk [tilespmem:v3+s15+$0x0], $0xffff  }
0xac: {  	v4 =	vld.idx.msk [tilespmem:v4+s15+$0x0], $0xffff  }
0xad: {  	s26 =	simm.s32 $0x1D780;
	v5 =	vld.idx.msk [tilespmem:v5+s15+$0x0], $0xffff  }
0xae: {  	v6 =	vld.idx.msk [tilespmem:v6+s15+$0x0], $0xffff;
	[tilespmem:s26+$0x70] =	vst v0  }
0xaf: {  	v7 =	vld.idx.msk [tilespmem:v7+s15+$0x0], $0xffff;
	[tilespmem:s26+$0xFFFFFF90] =	vst v1  }
0xb0: {  	v15 =	vld.idx.msk [tilespmem:v15+s15+$0x0], $0xffff;
	[tilespmem:s26+$0xFFFFFFA0] =	vst v2  }
0xb1: {  	v8 =	vld.idx.msk [tilespmem:v8+s15+$0x0], $0xffff;
	[tilespmem:s26+$0xFFFFFFB0] =	vst v3  }
0xb2: {  	[tilespmem:s26+$0xFFFFFFC0] =	vst v4;
	v0 =	vld.idx.msk [tilespmem:v9+s15+$0x0], $0xffff  }
0xb3: {  	[tilespmem:s26+$0xFFFFFFD0] =	vst v5;
	v1 =	vld.idx.msk [tilespmem:v10+s15+$0x0], $0xffff  }
0xb4: {  	[tilespmem:s26+$0xFFFFFFE0] =	vst v6;
	v2 =	vld.idx.msk [tilespmem:v11+s15+$0x0], $0xffff  }
0xb5: {  	[tilespmem:s26+$0xFFFFFFF0] =	vst v7;
	v3 =	vld.idx.msk [tilespmem:v12+s15+$0x0], $0xffff  }
0xb6: {  	[tilespmem:s26+$0xFFFFFF80] =	vst v15;
	v4 =	vld.idx.msk [tilespmem:v13+s15+$0x0], $0xffff  }
0xb7: {  	s29 =	simm.s32 $0x11F0;
	s28 =	simm.s32 $0x0;
	[tilespmem:s26+$0x0] =	vst v8;
	v5 =	vld.idx.msk [tilespmem:v14+s15+$0x0], $0xffff  }
.LBB2_5:
0xb8: {  	v6 =	vld [tilespmem:s29+$0x0];
	s28 =	sadd.s32 $0x100, s28;
	[tilespmem:s26+$0x10] =	vst v0  }
0xb9: {  	v0 =	vld [tilespmem:s29+$0xFFFFFF20];
	p0 =	slt.u32 s28, $0xF00;
	[tilespmem:s26+$0x20] =	vst v1  }
0xba: {  	v1 =	vld [tilespmem:s29+$0xFFFFFF30];
	[tilespmem:s26+$0x30] =	vst v2  }
0xbb: {  	v2 =	vld [tilespmem:s29+$0xFFFFFF40];
	[tilespmem:s26+$0x40] =	vst v3  }
0xbc: {  	v3 =	vld [tilespmem:s29+$0xFFFFFF50];
	[tilespmem:s26+$0x50] =	vst v4  }
0xbd: {  	v4 =	vld [tilespmem:s29+$0xFFFFFF60];
	[tilespmem:s26+$0x60] =	vst v5  }
0xbe: {  	v5 =	vld [tilespmem:s29+$0xFFFFFF70]  }
0xbf: {  	v7 =	vld [tilespmem:s29+$0xFFFFFF80]  }
0xc0: {  	v6 =	vld.idx.msk [tilespmem:v6+s15+$0x0], $0xffff  }
0xc1: {  	v8 =	vld [tilespmem:s29+$0xFFFFFF90]  }
0xc2: {  	v9 =	vld [tilespmem:s29+$0xFFFFFFA0]  }
0xc3: {  	v10 =	vld [tilespmem:s29+$0xFFFFFFB0]  }
0xc4: {  	v11 =	vld [tilespmem:s29+$0xFFFFFFC0]  }
0xc5: {  	s26 =	sadd.s32 $0x100, s26;
	v12 =	vld [tilespmem:s29+$0xFFFFFFD0]  }
0xc6: {  	v13 =	vld [tilespmem:s29+$0xFFFFFFE0];
	[tilespmem:s26+$0x70] =	vst v6  }
0xc7: {  	v6 =	vld [tilespmem:s29+$0xFFFFFFF0]  }
0xc8: {  	v14 =	vld [tilespmem:s29+$0xFFFFFF10]  }
0xc9: {  	v0 =	vld.idx.msk [tilespmem:v0+s15+$0x0], $0xffff  }
0xca: {  	v1 =	vld.idx.msk [tilespmem:v1+s15+$0x0], $0xffff  }
0xcb: {  	v2 =	vld.idx.msk [tilespmem:v2+s15+$0x0], $0xffff  }
0xcc: {  	v3 =	vld.idx.msk [tilespmem:v3+s15+$0x0], $0xffff  }
0xcd: {  	v4 =	vld.idx.msk [tilespmem:v4+s15+$0x0], $0xffff  }
0xce: {  	v5 =	vld.idx.msk [tilespmem:v5+s15+$0x0], $0xffff  }
0xcf: {  	[tilespmem:s26+$0xFFFFFF90] =	vst v0;
	v7 =	vld.idx.msk [tilespmem:v7+s15+$0x0], $0xffff  }
0xd0: {  	v14 =	vld.idx.msk [tilespmem:v14+s15+$0x0], $0xffff;
	[tilespmem:s26+$0xFFFFFFA0] =	vst v1  }
0xd1: {  	[tilespmem:s26+$0xFFFFFFB0] =	vst v2;
	v8 =	vld.idx.msk [tilespmem:v8+s15+$0x0], $0xffff  }
0xd2: {  	[tilespmem:s26+$0xFFFFFFC0] =	vst v3;
	v0 =	vld.idx.msk [tilespmem:v9+s15+$0x0], $0xffff  }
.Ltmp1:
0xd3: {  	[tilespmem:s26+$0xFFFFFFD0] =	vst v4;
	v1 =	vld.idx.msk [tilespmem:v10+s15+$0x0], $0xffff;
	(pc) =	sbr.rel @p0 .LBB2_5-.Ltmp1, $4  }
0xd4: {  	[tilespmem:s26+$0xFFFFFFE0] =	vst v5;
	v2 =	vld.idx.msk [tilespmem:v11+s15+$0x0], $0xffff  }
0xd5: {  	[tilespmem:s26+$0xFFFFFFF0] =	vst v7;
	v3 =	vld.idx.msk [tilespmem:v12+s15+$0x0], $0xffff  }
0xd6: {  	[tilespmem:s26+$0xFFFFFF80] =	vst v14;
	v4 =	vld.idx.msk [tilespmem:v13+s15+$0x0], $0xffff  }
0xd7: {  	s29 =	sadd.s32 $0x100, s29;
	[tilespmem:s26+$0x0] =	vst v8;
	v5 =	vld.idx.msk [tilespmem:v6+s15+$0x0], $0xffff  }
0xd8: {  	[tilespmem:s26+$0x10] =	vst v0  }
0xd9: {  	[tilespmem:s26+$0x20] =	vst v1  }
0xda: {  	[tilespmem:s26+$0x30] =	vst v2  }
0xdb: {  	[tilespmem:s26+$0x40] =	vst v3  }
0xdc: {  	[tilespmem:s26+$0x50] =	vst v4  }
0xdd: {  	s30 =	sadd.s32 s25, s7;
	[tilespmem:s26+$0x60] =	vst v5  }
0xde: {  	[hbm4b:s30+s12] =	stream.strided.scatter [tilespmem:s22], [sflag:$0x1], $0x1000, s13, s12, $0x38;
	[tilespmem:$0x1E800] =	vst v63  }
0xdf: {  	_ =	swait.ge [sflag:s11], $0x1000  }
0xe0: {  	[sflag:s11] =	ssyncset.done $0x0  }
0xe1: {  	s31 =	simm.s32 $0x20F0;
	[sflag:s11] =	ssyncadd.s32 $0xFFFFF000  }
0xe2: {  	v0 =	vld [tilespmem:s31+$0x0]  }
0xe3: {  	v1 =	vld [tilespmem:s31+$0xFFFFFF20]  }
0xe4: {  	v2 =	vld [tilespmem:s31+$0xFFFFFF30]  }
0xe5: {  	v3 =	vld [tilespmem:s31+$0xFFFFFF40]  }
0xe6: {  	v4 =	vld [tilespmem:s31+$0xFFFFFF50]  }
0xe7: {  	v5 =	vld [tilespmem:s31+$0xFFFFFF60]  }
0xe8: {  	v6 =	vld [tilespmem:s31+$0xFFFFFF70]  }
0xe9: {  	v7 =	vld [tilespmem:s31+$0xFFFFFF80]  }
0xea: {  	v8 =	vld [tilespmem:s31+$0xFFFFFF90]  }
0xeb: {  	v9 =	vld [tilespmem:s31+$0xFFFFFFA0]  }
0xec: {  	v10 =	vld [tilespmem:s31+$0xFFFFFFB0]  }
0xed: {  	v11 =	vld [tilespmem:s31+$0xFFFFFFC0]  }
0xee: {  	v12 =	vld [tilespmem:s31+$0xFFFFFFD0]  }
0xef: {  	v13 =	vld [tilespmem:s31+$0xFFFFFFE0]  }
0xf0: {  	v14 =	vld [tilespmem:s31+$0xFFFFFFF0]  }
0xf1: {  	v15 =	vld [tilespmem:s31+$0xFFFFFF10]  }
0xf2: {  	v0 =	vld.idx.msk [tilespmem:v0+s15+$0x0], $0xffff  }
0xf3: {  	v1 =	vld.idx.msk [tilespmem:v1+s15+$0x0], $0xffff  }
0xf4: {  	v2 =	vld.idx.msk [tilespmem:v2+s15+$0x0], $0xffff  }
0xf5: {  	v3 =	vld.idx.msk [tilespmem:v3+s15+$0x0], $0xffff  }
0xf6: {  	v4 =	vld.idx.msk [tilespmem:v4+s15+$0x0], $0xffff  }
0xf7: {  	s26 =	simm.s32 $0x1C780;
	v5 =	vld.idx.msk [tilespmem:v5+s15+$0x0], $0xffff  }
0xf8: {  	v6 =	vld.idx.msk [tilespmem:v6+s15+$0x0], $0xffff;
	[tilespmem:s26+$0x70] =	vst v0  }
0xf9: {  	v7 =	vld.idx.msk [tilespmem:v7+s15+$0x0], $0xffff;
	[tilespmem:s26+$0xFFFFFF90] =	vst v1  }
0xfa: {  	v15 =	vld.idx.msk [tilespmem:v15+s15+$0x0], $0xffff;
	[tilespmem:s26+$0xFFFFFFA0] =	vst v2  }
0xfb: {  	v8 =	vld.idx.msk [tilespmem:v8+s15+$0x0], $0xffff;
	[tilespmem:s26+$0xFFFFFFB0] =	vst v3  }
0xfc: {  	[tilespmem:s26+$0xFFFFFFC0] =	vst v4;
	v0 =	vld.idx.msk [tilespmem:v9+s15+$0x0], $0xffff  }
0xfd: {  	[tilespmem:s26+$0xFFFFFFD0] =	vst v5;
	v1 =	vld.idx.msk [tilespmem:v10+s15+$0x0], $0xffff  }
0xfe: {  	[tilespmem:s26+$0xFFFFFFE0] =	vst v6;
	v2 =	vld.idx.msk [tilespmem:v11+s15+$0x0], $0xffff  }
0xff: {  	[tilespmem:s26+$0xFFFFFFF0] =	vst v7;
	v3 =	vld.idx.msk [tilespmem:v12+s15+$0x0], $0xffff  }
0x100: {  	[tilespmem:s26+$0xFFFFFF80] =	vst v15;
	v4 =	vld.idx.msk [tilespmem:v13+s15+$0x0], $0xffff  }
0x101: {  	s28 =	simm.s32 $0x0;
	s29 =	simm.s32 $0x21F0;
	[tilespmem:s26+$0x0] =	vst v8;
	v5 =	vld.idx.msk [tilespmem:v14+s15+$0x0], $0xffff  }
.LBB2_7:
0x102: {  	v6 =	vld [tilespmem:s29+$0x0];
	s28 =	sadd.s32 $0x100, s28;
	[tilespmem:s26+$0x10] =	vst v0  }
0x103: {  	v0 =	vld [tilespmem:s29+$0xFFFFFF20];
	p0 =	slt.u32 s28, $0xF00;
	[tilespmem:s26+$0x20] =	vst v1  }
0x104: {  	v1 =	vld [tilespmem:s29+$0xFFFFFF30];
	[tilespmem:s26+$0x30] =	vst v2  }
0x105: {  	v2 =	vld [tilespmem:s29+$0xFFFFFF40];
	[tilespmem:s26+$0x40] =	vst v3  }
0x106: {  	v3 =	vld [tilespmem:s29+$0xFFFFFF50];
	[tilespmem:s26+$0x50] =	vst v4  }
0x107: {  	v4 =	vld [tilespmem:s29+$0xFFFFFF60];
	[tilespmem:s26+$0x60] =	vst v5  }
0x108: {  	v5 =	vld [tilespmem:s29+$0xFFFFFF70]  }
0x109: {  	v7 =	vld [tilespmem:s29+$0xFFFFFF80]  }
0x10a: {  	v6 =	vld.idx.msk [tilespmem:v6+s15+$0x0], $0xffff  }
0x10b: {  	v8 =	vld [tilespmem:s29+$0xFFFFFF90]  }
0x10c: {  	v9 =	vld [tilespmem:s29+$0xFFFFFFA0]  }
0x10d: {  	v10 =	vld [tilespmem:s29+$0xFFFFFFB0]  }
0x10e: {  	v11 =	vld [tilespmem:s29+$0xFFFFFFC0]  }
0x10f: {  	s26 =	sadd.s32 $0x100, s26;
	v12 =	vld [tilespmem:s29+$0xFFFFFFD0]  }
0x110: {  	v13 =	vld [tilespmem:s29+$0xFFFFFFE0];
	[tilespmem:s26+$0x70] =	vst v6  }
0x111: {  	v6 =	vld [tilespmem:s29+$0xFFFFFFF0]  }
0x112: {  	v14 =	vld [tilespmem:s29+$0xFFFFFF10]  }
0x113: {  	v0 =	vld.idx.msk [tilespmem:v0+s15+$0x0], $0xffff  }
0x114: {  	v1 =	vld.idx.msk [tilespmem:v1+s15+$0x0], $0xffff  }
0x115: {  	v2 =	vld.idx.msk [tilespmem:v2+s15+$0x0], $0xffff  }
0x116: {  	v3 =	vld.idx.msk [tilespmem:v3+s15+$0x0], $0xffff  }
0x117: {  	v4 =	vld.idx.msk [tilespmem:v4+s15+$0x0], $0xffff  }
0x118: {  	v5 =	vld.idx.msk [tilespmem:v5+s15+$0x0], $0xffff  }
0x119: {  	[tilespmem:s26+$0xFFFFFF90] =	vst v0;
	v7 =	vld.idx.msk [tilespmem:v7+s15+$0x0], $0xffff  }
0x11a: {  	v14 =	vld.idx.msk [tilespmem:v14+s15+$0x0], $0xffff;
	[tilespmem:s26+$0xFFFFFFA0] =	vst v1  }
0x11b: {  	[tilespmem:s26+$0xFFFFFFB0] =	vst v2;
	v8 =	vld.idx.msk [tilespmem:v8+s15+$0x0], $0xffff  }
0x11c: {  	[tilespmem:s26+$0xFFFFFFC0] =	vst v3;
	v0 =	vld.idx.msk [tilespmem:v9+s15+$0x0], $0xffff  }
.Ltmp2:
0x11d: {  	[tilespmem:s26+$0xFFFFFFD0] =	vst v4;
	v1 =	vld.idx.msk [tilespmem:v10+s15+$0x0], $0xffff;
	(pc) =	sbr.rel @p0 .LBB2_7-.Ltmp2, $4  }
0x11e: {  	[tilespmem:s26+$0xFFFFFFE0] =	vst v5;
	v2 =	vld.idx.msk [tilespmem:v11+s15+$0x0], $0xffff  }
0x11f: {  	[tilespmem:s26+$0xFFFFFFF0] =	vst v7;
	v3 =	vld.idx.msk [tilespmem:v12+s15+$0x0], $0xffff  }
0x120: {  	[tilespmem:s26+$0xFFFFFF80] =	vst v14;
	v4 =	vld.idx.msk [tilespmem:v13+s15+$0x0], $0xffff  }
0x121: {  	s29 =	sadd.s32 $0x100, s29;
	[tilespmem:s26+$0x0] =	vst v8;
	v5 =	vld.idx.msk [tilespmem:v6+s15+$0x0], $0xffff  }
0x122: {  	[tilespmem:s26+$0x10] =	vst v0  }
0x123: {  	[tilespmem:s26+$0x20] =	vst v1  }
0x124: {  	[tilespmem:s26+$0x30] =	vst v2  }
0x125: {  	[tilespmem:s26+$0x40] =	vst v3  }
0x126: {  	[tilespmem:s26+$0x50] =	vst v4  }
0x127: {  	s30 =	sadd.s32 s25, s8;
	[tilespmem:s26+$0x60] =	vst v5  }
0x128: {  	[hbm4b:s30+s12] =	stream.strided.scatter [tilespmem:s21], [sflag:$0x1], $0x1000, s13, s12, $0x38;
	[tilespmem:$0x1E800] =	vst v63  }
0x129: {  	_ =	swait.ge [sflag:s11], $0x1000  }
0x12a: {  	[sflag:s11] =	ssyncset.done $0x0  }
0x12b: {  	s31 =	simm.s32 $0x30F0;
	[sflag:s11] =	ssyncadd.s32 $0xFFFFF000  }
0x12c: {  	v0 =	vld [tilespmem:s31+$0x0]  }
0x12d: {  	v1 =	vld [tilespmem:s31+$0xFFFFFF20]  }
0x12e: {  	v2 =	vld [tilespmem:s31+$0xFFFFFF30]  }
0x12f: {  	v3 =	vld [tilespmem:s31+$0xFFFFFF40]  }
0x130: {  	v4 =	vld [tilespmem:s31+$0xFFFFFF50]  }
0x131: {  	v5 =	vld [tilespmem:s31+$0xFFFFFF60]  }
0x132: {  	v6 =	vld [tilespmem:s31+$0xFFFFFF70]  }
0x133: {  	v7 =	vld [tilespmem:s31+$0xFFFFFF80]  }
0x134: {  	v8 =	vld [tilespmem:s31+$0xFFFFFF90]  }
0x135: {  	v9 =	vld [tilespmem:s31+$0xFFFFFFA0]  }
0x136: {  	v10 =	vld [tilespmem:s31+$0xFFFFFFB0]  }
0x137: {  	v11 =	vld [tilespmem:s31+$0xFFFFFFC0]  }
0x138: {  	v12 =	vld [tilespmem:s31+$0xFFFFFFD0]  }
0x139: {  	v13 =	vld [tilespmem:s31+$0xFFFFFFE0]  }
0x13a: {  	v14 =	vld [tilespmem:s31+$0xFFFFFFF0]  }
0x13b: {  	v15 =	vld [tilespmem:s31+$0xFFFFFF10]  }
0x13c: {  	v0 =	vld.idx.msk [tilespmem:v0+s15+$0x0], $0xffff  }
0x13d: {  	v1 =	vld.idx.msk [tilespmem:v1+s15+$0x0], $0xffff  }
0x13e: {  	v2 =	vld.idx.msk [tilespmem:v2+s15+$0x0], $0xffff  }
0x13f: {  	v3 =	vld.idx.msk [tilespmem:v3+s15+$0x0], $0xffff  }
0x140: {  	v4 =	vld.idx.msk [tilespmem:v4+s15+$0x0], $0xffff  }
0x141: {  	s26 =	simm.s32 $0x1D780;
	v5 =	vld.idx.msk [tilespmem:v5+s15+$0x0], $0xffff  }
0x142: {  	v6 =	vld.idx.msk [tilespmem:v6+s15+$0x0], $0xffff;
	[tilespmem:s26+$0x70] =	vst v0  }
0x143: {  	v7 =	vld.idx.msk [tilespmem:v7+s15+$0x0], $0xffff;
	[tilespmem:s26+$0xFFFFFF90] =	vst v1  }
0x144: {  	v15 =	vld.idx.msk [tilespmem:v15+s15+$0x0], $0xffff;
	[tilespmem:s26+$0xFFFFFFA0] =	vst v2  }
0x145: {  	v8 =	vld.idx.msk [tilespmem:v8+s15+$0x0], $0xffff;
	[tilespmem:s26+$0xFFFFFFB0] =	vst v3  }
0x146: {  	[tilespmem:s26+$0xFFFFFFC0] =	vst v4;
	v0 =	vld.idx.msk [tilespmem:v9+s15+$0x0], $0xffff  }
0x147: {  	[tilespmem:s26+$0xFFFFFFD0] =	vst v5;
	v1 =	vld.idx.msk [tilespmem:v10+s15+$0x0], $0xffff  }
0x148: {  	[tilespmem:s26+$0xFFFFFFE0] =	vst v6;
	v2 =	vld.idx.msk [tilespmem:v11+s15+$0x0], $0xffff  }
0x149: {  	[tilespmem:s26+$0xFFFFFFF0] =	vst v7;
	v3 =	vld.idx.msk [tilespmem:v12+s15+$0x0], $0xffff  }
0x14a: {  	[tilespmem:s26+$0xFFFFFF80] =	vst v15;
	v4 =	vld.idx.msk [tilespmem:v13+s15+$0x0], $0xffff  }
0x14b: {  	s28 =	simm.s32 $0x0;
	s29 =	simm.s32 $0x31F0;
	[tilespmem:s26+$0x0] =	vst v8;
	v5 =	vld.idx.msk [tilespmem:v14+s15+$0x0], $0xffff  }
.LBB2_9:
0x14c: {  	v6 =	vld [tilespmem:s29+$0x0];
	s28 =	sadd.s32 $0x100, s28;
	[tilespmem:s26+$0x10] =	vst v0  }
0x14d: {  	v0 =	vld [tilespmem:s29+$0xFFFFFF20];
	p0 =	slt.u32 s28, $0xF00;
	[tilespmem:s26+$0x20] =	vst v1  }
0x14e: {  	v1 =	vld [tilespmem:s29+$0xFFFFFF30];
	[tilespmem:s26+$0x30] =	vst v2  }
0x14f: {  	v2 =	vld [tilespmem:s29+$0xFFFFFF40];
	[tilespmem:s26+$0x40] =	vst v3  }
0x150: {  	v3 =	vld [tilespmem:s29+$0xFFFFFF50];
	[tilespmem:s26+$0x50] =	vst v4  }
0x151: {  	v4 =	vld [tilespmem:s29+$0xFFFFFF60];
	[tilespmem:s26+$0x60] =	vst v5  }
0x152: {  	v5 =	vld [tilespmem:s29+$0xFFFFFF70]  }
0x153: {  	v7 =	vld [tilespmem:s29+$0xFFFFFF80]  }
0x154: {  	v6 =	vld.idx.msk [tilespmem:v6+s15+$0x0], $0xffff  }
0x155: {  	v8 =	vld [tilespmem:s29+$0xFFFFFF90]  }
0x156: {  	v9 =	vld [tilespmem:s29+$0xFFFFFFA0]  }
0x157: {  	v10 =	vld [tilespmem:s29+$0xFFFFFFB0]  }
0x158: {  	v11 =	vld [tilespmem:s29+$0xFFFFFFC0]  }
0x159: {  	s26 =	sadd.s32 $0x100, s26;
	v12 =	vld [tilespmem:s29+$0xFFFFFFD0]  }
0x15a: {  	v13 =	vld [tilespmem:s29+$0xFFFFFFE0];
	[tilespmem:s26+$0x70] =	vst v6  }
0x15b: {  	v6 =	vld [tilespmem:s29+$0xFFFFFFF0]  }
0x15c: {  	v14 =	vld [tilespmem:s29+$0xFFFFFF10]  }
0x15d: {  	v0 =	vld.idx.msk [tilespmem:v0+s15+$0x0], $0xffff  }
0x15e: {  	v1 =	vld.idx.msk [tilespmem:v1+s15+$0x0], $0xffff  }
0x15f: {  	v2 =	vld.idx.msk [tilespmem:v2+s15+$0x0], $0xffff  }
0x160: {  	v3 =	vld.idx.msk [tilespmem:v3+s15+$0x0], $0xffff  }
0x161: {  	v4 =	vld.idx.msk [tilespmem:v4+s15+$0x0], $0xffff  }
0x162: {  	v5 =	vld.idx.msk [tilespmem:v5+s15+$0x0], $0xffff  }
0x163: {  	[tilespmem:s26+$0xFFFFFF90] =	vst v0;
	v7 =	vld.idx.msk [tilespmem:v7+s15+$0x0], $0xffff  }
0x164: {  	v14 =	vld.idx.msk [tilespmem:v14+s15+$0x0], $0xffff;
	[tilespmem:s26+$0xFFFFFFA0] =	vst v1  }
0x165: {  	[tilespmem:s26+$0xFFFFFFB0] =	vst v2;
	v8 =	vld.idx.msk [tilespmem:v8+s15+$0x0], $0xffff  }
0x166: {  	[tilespmem:s26+$0xFFFFFFC0] =	vst v3;
	v0 =	vld.idx.msk [tilespmem:v9+s15+$0x0], $0xffff  }
.Ltmp3:
0x167: {  	[tilespmem:s26+$0xFFFFFFD0] =	vst v4;
	v1 =	vld.idx.msk [tilespmem:v10+s15+$0x0], $0xffff;
	(pc) =	sbr.rel @p0 .LBB2_9-.Ltmp3, $4  }
0x168: {  	[tilespmem:s26+$0xFFFFFFE0] =	vst v5;
	v2 =	vld.idx.msk [tilespmem:v11+s15+$0x0], $0xffff  }
0x169: {  	[tilespmem:s26+$0xFFFFFFF0] =	vst v7;
	v3 =	vld.idx.msk [tilespmem:v12+s15+$0x0], $0xffff  }
0x16a: {  	[tilespmem:s26+$0xFFFFFF80] =	vst v14;
	v4 =	vld.idx.msk [tilespmem:v13+s15+$0x0], $0xffff  }
0x16b: {  	s29 =	sadd.s32 $0x100, s29;
	[tilespmem:s26+$0x0] =	vst v8;
	v5 =	vld.idx.msk [tilespmem:v6+s15+$0x0], $0xffff  }
0x16c: {  	[tilespmem:s26+$0x10] =	vst v0  }
0x16d: {  	[tilespmem:s26+$0x20] =	vst v1  }
0x16e: {  	[tilespmem:s26+$0x30] =	vst v2  }
0x16f: {  	[tilespmem:s26+$0x40] =	vst v3  }
0x170: {  	[tilespmem:s26+$0x50] =	vst v4  }
0x171: {  	s25 =	sadd.s32 s25, s9;
	s24 =	sadd.s32 $0x1, s24;
	[tilespmem:s26+$0x60] =	vst v5  }
0x172: {  	[hbm4b:s25+s12] =	stream.strided.scatter [tilespmem:s22], [sflag:$0x1], $0x1000, s13, s12, $0x38;
	[tilespmem:$0x1E800] =	vst v63  }
0x173: {  	p0 =	sne.s32 s24, $0x1A;
	_ =	swait.ge [sflag:s11], $0x1000  }
.Ltmp4:
0x174: {  	[sflag:s11] =	ssyncset.done $0x0;
	(pc) =	sbr.rel @p0 .LBB2_2-.Ltmp4, $4  }
0x175: {  	[sflag:s11] =	ssyncadd.s32 $0xFFFFF000  }
0x176: {  	_ =	swait.ge [sflag:s11], $0x1000  }
0x177: {  	[sflag:s11] =	ssyncset.done $0x0  }
0x178: {  	[sflag:s11] =	ssyncadd.s32 $0xFFFFF000  }
0x179: {  	s23 =	sadd.s32 $0x1, s23  }
0x17a: {  	p0 =	sne.s32 s23, s10  }
.Ltmp5:
0x17b: {  	_ = 	snop;
	(pc) =	sbr.rel @p0 .LBB2_1-.Ltmp5, $1  }
0x17c: {  	_ =	sdelay $0x3  }
0x17d: {  	_ =	sfence.sel $0x180000  }
0x17e: {  	[bflag:$0x0] =	sbarrier.arrive $0xFFFF  }
0x17f: {  	p0 =	sne.s32 s3, $0x0;
	_ =	strace $0x90000047  }
0x180: {  	s0 =	sadd.s32 @!p0 $0x100000, s0;
	[bflag:$0x2] =	sbarrier.arrive $0xFFFF  }
0x181: {  	[sflag:s0] =	ssyncadd.tile.s32 @!p0 $0x1;
	_ =	shalt  }
.Lfunc_end2:
_tile_overlayer_lowered:
.L_overlay_start_2:
0x182: {  	(tag) =	ssettag $0x2  }
0x183: {  	s0 =	rddreg [dreg:$0x0];
	s2 =	stileid.u32  }
0x184: {  	s1 =	rddreg [dreg:$0x1];
	p0 =	sne.s32 s2, $0x0  }
0x185: {  	s3 =	rddreg [dreg:$0x2];
	[bflag:$0x3] =	sbarrier.arrive $0xFFFF;
	s2 =	simm.s32 @!p0 $0x1C03  }
0x186: {  	[timem:s3], [sflag:s2] =	dma.local @!p0 [hbm:s0], s1  }
0x187: {  	s0 =	simm.s32 @!p0 $0x3  }
0x188: {  	_ =	swait.ge @!p0 [sflag:s0], s1  }
0x189: {  	s1 =	ssub.s32 @!p0 $0x0, s1;
	[sflag:s0] =	ssyncset.done @!p0 $0x0  }
0x18a: {  	[sflag:s0] =	ssyncadd.s32 @!p0 s1  }
0x18b: {  	[bflag:$0x3] =	sbarrier.arrive $0xFFFF  }
0x18c: {  	_ =	shalt  }

</sc_bundles>
